<compile_context>
chip_gen: v7x
topology: tpu7x:2x2x1
jax: 0.10.2.dev20260603
libtpu: 0.0.44.dev20260713+nightly
codegen_flags: <defaults>
</compile_context>

<pallas_src>
import functools

import jax
import jax.numpy as jnp
from jax import lax
from jax.experimental import pallas as pl
from jax.experimental.pallas import tpu as pltpu
from jax.experimental.pallas import tpu_sc as plsc

_NUM_CORES = 2
_NUM_SUBCORES = 16
_NW = _NUM_CORES * _NUM_SUBCORES
_IDXW = 128


def _make_sc_gather(n_idx, e):
    rows_per_w = n_idx // _NW
    kj = rows_per_w // _IDXW
    mesh = plsc.VectorSubcoreMesh(core_axis_name="c", subcore_axis_name="s")

    @functools.partial(
        pl.kernel,
        mesh=mesh,
        out_type=jax.ShapeDtypeStruct((n_idx, e), jnp.float32),
        scratch_types=[
            pltpu.VMEM((kj, _IDXW), jnp.int32),
            pltpu.VMEM((_IDXW, e), jnp.float32),
            pltpu.VMEM((_IDXW, e), jnp.float32),
            pltpu.SemaphoreType.DMA,
            pltpu.SemaphoreType.DMA,
        ],
    )
    def sc_gather(idx_hbm, table_hbm, out_hbm, idx_v, rows_a, rows_b, sem_a,
                  sem_b):
        wid = lax.axis_index("s") * _NUM_CORES + lax.axis_index("c")
        pltpu.sync_copy(idx_hbm.at[wid], idx_v)
        base = wid * rows_per_w

        bufs = (rows_a, rows_b)
        sems = (sem_a, sem_b)
        pltpu.async_copy(table_hbm.at[idx_v.at[0]], rows_a, sem_a)

        def body(jj, carry):
            for p in range(2):
                j = jj * 2 + p
                cur, nxt = bufs[p], bufs[1 - p]
                scur, snxt = sems[p], sems[1 - p]

                @pl.when(j + 1 < kj)
                def _():
                    pltpu.async_copy(table_hbm.at[idx_v.at[j + 1]], nxt, snxt)

                pltpu.make_async_copy(table_hbm.at[idx_v.at[j]], cur,
                                      scur).wait()
                pltpu.sync_copy(cur, out_hbm.at[pl.ds(base + j * _IDXW,
                                                      _IDXW)])
            return carry

        lax.fori_loop(0, kj // 2, body, 0)
        if kj % 2 == 1:
            j = kj - 1
            pltpu.make_async_copy(table_hbm.at[idx_v.at[j]], bufs[j % 2],
                                  sems[j % 2]).wait()
            pltpu.sync_copy(bufs[j % 2],
                            out_hbm.at[pl.ds(base + j * _IDXW, _IDXW)])

    return sc_gather


_PACK = 4
_RC = 32768


def _repack_kernel(tt_ref, emap_ref, out_ref, *, vtotal):
    e = tt_ref.shape[0]
    lanes = _PACK * e
    sub = tt_ref.shape[1] // _PACK
    valid = vtotal - pl.program_id(0) * _RC
    col = lax.broadcasted_iota(jnp.int32, tt_ref.shape, 1)
    tt = jnp.where(col < valid, tt_ref[...], 0.0)
    acc = None
    for p in range(_PACK):
        d = lax.dot_general(
            tt[:, p * sub:(p + 1) * sub],
            emap_ref[:, p * lanes:(p + 1) * lanes],
            (((0,), (0,)), ((), ())),
            preferred_element_type=jnp.float32)
        acc = d if acc is None else acc + d
    out_ref[...] = acc


def _repack(table_t):
    e, v = table_t.shape
    lanes = _PACK * e
    sub = _RC // _PACK
    nblk = (v + _RC - 1) // _RC
    eye = jnp.eye(e, dtype=jnp.float32)
    emap = jnp.concatenate(
        [jnp.pad(eye, ((0, 0), (p * e, lanes - (p + 1) * e)))
         for p in range(_PACK)], axis=1)
    return pl.pallas_call(
        functools.partial(_repack_kernel, vtotal=v),
        grid=(nblk,),
        in_specs=[
            pl.BlockSpec((e, _RC), lambda k: (0, k)),
            pl.BlockSpec((e, _PACK * lanes), lambda k: (0, 0)),
        ],
        out_specs=pl.BlockSpec((sub, lanes), lambda k: (k, 0)),
        out_shape=jax.ShapeDtypeStruct((nblk * sub, lanes), jnp.float32),
        compiler_params=pltpu.CompilerParams(
            fuse_transposed_lhs_in_matmul=True,
        ),
    )(table_t, emap)


def _cell(x_t, h, c, wih_ref, whh_ref, bias_ref, h_dim):
    gates = (jnp.dot(x_t, wih_ref[...], preferred_element_type=jnp.float32)
             + jnp.dot(h, whh_ref[...], preferred_element_type=jnp.float32)
             + bias_ref[...])
    i_g = jax.nn.sigmoid(gates[:, 0:h_dim])
    f_g = jax.nn.sigmoid(gates[:, h_dim:2 * h_dim])
    g_g = jnp.tanh(gates[:, 2 * h_dim:3 * h_dim])
    o_g = jax.nn.sigmoid(gates[:, 3 * h_dim:4 * h_dim])
    c_new = f_g * c + i_g * g_g
    h_new = o_g * jnp.tanh(c_new)
    return h_new, c_new


def _x_sel(emb_ref, sel_ref):
    lanes = emb_ref.shape[1]
    sel_col = sel_ref[0].T
    grp = lax.broadcasted_iota(jnp.int32, emb_ref.shape, 1) // (lanes // _PACK)
    return jnp.where(grp == sel_col, emb_ref[...], 0.0)


def _lstm_first_kernel(emb_ref, sel_ref, wih_ref, whh_ref, bias_ref,
                       ho_ref, co_ref, h_ref, c_ref):
    t = pl.program_id(0)
    nt = pl.num_programs(0)
    h_dim = whh_ref.shape[0]

    @pl.when(t == 0)
    def _():
        h_ref[...] = jnp.zeros_like(h_ref)
        c_ref[...] = jnp.zeros_like(c_ref)

    x_t = _x_sel(emb_ref, sel_ref)
    h_new, c_new = _cell(x_t, h_ref[...], c_ref[...], wih_ref, whh_ref,
                         bias_ref, h_dim)
    h_ref[...] = h_new
    c_ref[...] = c_new

    @pl.when(t == nt - 1)
    def _():
        ho_ref[...] = h_new
        co_ref[...] = c_new


def _lstm_final_kernel(emb_ref, sel_ref, wih_ref, whh_ref, bias_ref,
                       h0_ref, c0_ref, wfc_ref, bfc_ref, out_ref,
                       h_ref, c_ref):
    t = pl.program_id(0)
    nt = pl.num_programs(0)
    h_dim = whh_ref.shape[0]

    @pl.when(t == 0)
    def _():
        h_ref[...] = h0_ref[...]
        c_ref[...] = c0_ref[...]

    x_t = _x_sel(emb_ref, sel_ref)
    h_new, c_new = _cell(x_t, h_ref[...], c_ref[...], wih_ref, whh_ref,
                         bias_ref, h_dim)
    h_ref[...] = h_new
    c_ref[...] = c_new

    @pl.when(t == nt - 1)
    def _():
        out_ref[...] = (jnp.dot(h_new, wfc_ref[...],
                                preferred_element_type=jnp.float32)
                        + bfc_ref[...])


def _lstm_first(emb_flat, sel, wih_t, whh_t, bias, b, t_steps):
    e = emb_flat.shape[1]
    h4 = wih_t.shape[1]
    h_dim = h4 // 4
    return pl.pallas_call(
        _lstm_first_kernel,
        grid=(t_steps,),
        in_specs=[
            pl.BlockSpec((b, e), lambda t: (t, 0)),
            pl.BlockSpec((1, 1, b), lambda t: (t, 0, 0)),
            pl.BlockSpec((e, h4), lambda t: (0, 0)),
            pl.BlockSpec((h_dim, h4), lambda t: (0, 0)),
            pl.BlockSpec((1, h4), lambda t: (0, 0)),
        ],
        out_specs=[
            pl.BlockSpec((b, h_dim), lambda t: (0, 0)),
            pl.BlockSpec((b, h_dim), lambda t: (0, 0)),
        ],
        out_shape=[
            jax.ShapeDtypeStruct((b, h_dim), jnp.float32),
            jax.ShapeDtypeStruct((b, h_dim), jnp.float32),
        ],
        scratch_shapes=[
            pltpu.VMEM((b, h_dim), jnp.float32),
            pltpu.VMEM((b, h_dim), jnp.float32),
        ],
        compiler_params=pltpu.CompilerParams(
            dimension_semantics=("arbitrary",),
        ),
    )(emb_flat, sel, wih_t, whh_t, bias)


def _lstm_final(emb_flat, sel, wih_t, whh_t, bias, h0, c0, wfc_t, bfc, b,
                t_steps):
    e = emb_flat.shape[1]
    h4 = wih_t.shape[1]
    h_dim = h4 // 4
    out_dim = wfc_t.shape[1]
    return pl.pallas_call(
        _lstm_final_kernel,
        grid=(t_steps,),
        in_specs=[
            pl.BlockSpec((b, e), lambda t: (t, 0)),
            pl.BlockSpec((1, 1, b), lambda t: (t, 0, 0)),
            pl.BlockSpec((e, h4), lambda t: (0, 0)),
            pl.BlockSpec((h_dim, h4), lambda t: (0, 0)),
            pl.BlockSpec((1, h4), lambda t: (0, 0)),
            pl.BlockSpec((b, h_dim), lambda t: (0, 0)),
            pl.BlockSpec((b, h_dim), lambda t: (0, 0)),
            pl.BlockSpec((h_dim, out_dim), lambda t: (0, 0)),
            pl.BlockSpec((1, out_dim), lambda t: (0, 0)),
        ],
        out_specs=pl.BlockSpec((b, out_dim), lambda t: (0, 0)),
        out_shape=jax.ShapeDtypeStruct((b, out_dim), jnp.float32),
        scratch_shapes=[
            pltpu.VMEM((b, h_dim), jnp.float32),
            pltpu.VMEM((b, h_dim), jnp.float32),
        ],
        compiler_params=pltpu.CompilerParams(
            dimension_semantics=("arbitrary",),
        ),
    )(emb_flat, sel, wih_t, whh_t, bias, h0, c0, wfc_t, bfc)


def kernel(x, table, W_ih, W_hh, b_ih, b_hh, W_fc, b_fc):
    b, t_steps = x.shape
    e = table.shape[1]
    h4 = W_ih.shape[0]
    out_dim = W_fc.shape[0]

    tbl_packed = _repack(table.T)
    xt = x.astype(jnp.int32).T
    sub = _RC // _PACK
    rows = (xt // _RC) * sub + (xt % sub)
    sels = (xt // sub) % _PACK
    th = t_steps // 2
    gat = _make_sc_gather(b * th, e * _PACK)
    idx_a = rows[:th].reshape(_NW, -1, _IDXW)
    idx_b = rows[th:].reshape(_NW, -1, _IDXW)
    emb_a = gat(idx_a, tbl_packed)
    emb_b = gat(idx_b, tbl_packed)
    sel_a = sels[:th].reshape(th, 1, b)
    sel_b = sels[th:].reshape(t_steps - th, 1, b)

    wih_t = jnp.tile(W_ih.T, (_PACK, 1))
    whh_t = W_hh.T
    bias = (b_ih + b_hh).reshape(1, h4)
    wfc_t = W_fc.T
    bfc = b_fc.reshape(1, out_dim)
    h0, c0 = _lstm_first(emb_a, sel_a, wih_t, whh_t, bias, b, th)
    return _lstm_final(emb_b, sel_b, wih_t, whh_t, bias, h0, c0, wfc_t, bfc,
                       b, t_steps - th)

# --- scband reference (transcript-rebuilt; emitter-appended) ---
"""Pipeline reference for scband-chat-model-10840497455335 (READ-ONLY COPY).

The authoritative reference and input builder live on the scoring server;
editing this copy changes nothing except your own understanding.
"""

import jax, jax.numpy as jnp
import numpy as np

VOCAB = 1000000
E = 32
H = 64
OUT = 1000
B = 4096
T = 50


def setup_inputs(seed: int = 0) -> dict:
    key = jax.random.key(seed)
    ks = jax.random.split(key, 8)
    x = jax.random.randint(ks[0], (B, T), 0, VOCAB)
    table = jax.random.normal(ks[1], (VOCAB, E), dtype=jnp.float32) * 0.02
    W_ih = jax.random.normal(ks[2], (4 * H, E), dtype=jnp.float32) * 0.05
    W_hh = jax.random.normal(ks[3], (4 * H, H), dtype=jnp.float32) * 0.05
    b_ih = jax.random.normal(ks[4], (4 * H,), dtype=jnp.float32) * 0.01
    b_hh = jax.random.normal(ks[5], (4 * H,), dtype=jnp.float32) * 0.01
    W_fc = jax.random.normal(ks[6], (OUT, H), dtype=jnp.float32) * 0.05
    b_fc = jax.random.normal(ks[7], (OUT,), dtype=jnp.float32) * 0.01
    return {"x": x, "table": table, "W_ih": W_ih, "W_hh": W_hh,
            "b_ih": b_ih, "b_hh": b_hh, "W_fc": W_fc, "b_fc": b_fc}


def reference(x, table, W_ih, W_hh, b_ih, b_hh, W_fc, b_fc):
    # embedding lookup
    emb = jnp.take(table, x, axis=0)  # [B, T, E]
    xs = jnp.transpose(emb, (1, 0, 2))  # [T, B, E]
    bsz = emb.shape[0]
    h0 = jnp.zeros((bsz, H), dtype=emb.dtype)
    c0 = jnp.zeros((bsz, H), dtype=emb.dtype)

    def step(carry, x_t):
        h, c = carry
        gates = x_t @ W_ih.T + b_ih + h @ W_hh.T + b_hh  # [B, 4H]
        i, f, g, o = jnp.split(gates, 4, axis=-1)
        i = jax.nn.sigmoid(i)
        f = jax.nn.sigmoid(f)
        g = jnp.tanh(g)
        o = jax.nn.sigmoid(o)
        c_new = f * c + i * g
        h_new = o * jnp.tanh(c_new)
        return (h_new, c_new), h_new

    (hT, cT), _ = jax.lax.scan(step, (h0, c0), xs)
    # fc on last hidden state (lstm_out[:, -1, :] == hT)
    out = hT @ W_fc.T + b_fc  # [B, OUT]
    return out

if __name__ == "__main__":
    import jax
    _d = setup_inputs()
    print(jax.jit(kernel)(*tuple(_d.values())))

</pallas_src>

<mosaic_0001>
#map = affine_map<(d0, d1) -> (0, 0, 0)>
#map1 = affine_map<(d0, d1) -> (0, 0)>
module attributes {stable_mosaic.version = 14 : i64} {
  func.func @sc_gather(%arg0: i32, %arg1: i32, %arg2: memref<32x25x128xi32, #tpu.memory_space<hbm>>, %arg3: memref<253952x128xf32, #tpu.memory_space<hbm>>, %arg4: memref<102400x128xf32, #tpu.memory_space<hbm>>, %arg5: memref<25x128xi32, #tpu.memory_space<vmem>>, %arg6: memref<128x128xf32, #tpu.memory_space<vmem>>, %arg7: memref<128x128xf32, #tpu.memory_space<vmem>>, %arg8: memref<!tpu.dma_semaphore, #tpu.memory_space<semaphore_mem>>, %arg9: memref<!tpu.dma_semaphore, #tpu.memory_space<semaphore_mem>>) attributes {dimension_semantics = [#tpu.dimension_semantics<core_parallel>, #tpu.dimension_semantics<subcore_parallel>], iteration_bounds = array<i64: 2, 16>, scalar_prefetch = 0 : i64, scratch_operands = 5 : i64, tpu.core_type = #tpu.core_type<sc_vector_subcore>, window_params = [{transform_indices = #map}, {transform_indices = #map1}, {transform_indices = #map1}]} {
    %mul3A = arith.constant 2 : i32
    %mul3A_0 = arith.muli %arg1, %mul3A : i32
    %add3A = arith.addi %mul3A_0, %arg0 : i32
    "tpu.region"() ({
      %run_scoped3A = tpu.sem_alloc : memref<!tpu.dma_semaphore, #tpu.memory_space<semaphore_mem>>
      %dma_start3A_22 = arith.constant 0 : i32
      %dma_start3A_23 = arith.constant 0 : i32
      %dma_start3A_24 = tpu.memref_slice %arg2[%add3A, %dma_start3A_22, %dma_start3A_23] : memref<32x25x128xi32, #tpu.memory_space<hbm>> -> memref<1x25x128xi32, #tpu.memory_space<hbm>>
      %dma_start3A_25 = tpu.memref_squeeze %dma_start3A_24 : memref<1x25x128xi32, #tpu.memory_space<hbm>> -> memref<25x128xi32, #tpu.memory_space<hbm>>
      %dma_start3A_26 = arith.constant 0 : i32
      %dma_start3A_27 = arith.constant 0 : i32
      %dma_start3A_28 = tpu.memref_slice %arg2[%add3A, %dma_start3A_26, %dma_start3A_27] : memref<32x25x128xi32, #tpu.memory_space<hbm>> -> memref<1x25x128xi32, #tpu.memory_space<hbm>>
      %dma_start3A_29 = tpu.memref_squeeze %dma_start3A_28 : memref<1x25x128xi32, #tpu.memory_space<hbm>> -> memref<25x128xi32, #tpu.memory_space<hbm>>
      tpu.enqueue_dma source(%dma_start3A_29 : memref<25x128xi32, #tpu.memory_space<hbm>>) target(%arg5 : memref<25x128xi32, #tpu.memory_space<vmem>>) target_semaphore(%run_scoped3A : memref<!tpu.dma_semaphore, #tpu.memory_space<semaphore_mem>>)
      %dma_wait3A_30 = arith.constant 0 : i32
      %dma_wait3A_31 = arith.constant 0 : i32
      %dma_wait3A_32 = tpu.memref_slice %arg2[%add3A, %dma_wait3A_30, %dma_wait3A_31] : memref<32x25x128xi32, #tpu.memory_space<hbm>> -> memref<1x25x128xi32, #tpu.memory_space<hbm>>
      %dma_wait3A_33 = tpu.memref_squeeze %dma_wait3A_32 : memref<1x25x128xi32, #tpu.memory_space<hbm>> -> memref<25x128xi32, #tpu.memory_space<hbm>>
      %dma_wait3A_34 = arith.constant 0 : i32
      %dma_wait3A_35 = arith.constant 0 : i32
      %dma_wait3A_36 = tpu.memref_slice %arg2[%add3A, %dma_wait3A_34, %dma_wait3A_35] : memref<32x25x128xi32, #tpu.memory_space<hbm>> -> memref<1x25x128xi32, #tpu.memory_space<hbm>>
      %dma_wait3A_37 = tpu.memref_squeeze %dma_wait3A_36 : memref<1x25x128xi32, #tpu.memory_space<hbm>> -> memref<25x128xi32, #tpu.memory_space<hbm>>
      tpu.wait_dma2 semaphore(%run_scoped3A : memref<!tpu.dma_semaphore, #tpu.memory_space<semaphore_mem>>) src(%dma_wait3A_37 : memref<25x128xi32, #tpu.memory_space<hbm>>) dst(%arg5 : memref<25x128xi32, #tpu.memory_space<vmem>>)
      tpu.yield
    }) : () -> ()
    %mul3A_1 = arith.constant 3200 : i32
    %mul3A_2 = arith.muli %add3A, %mul3A_1 : i32
    %dma_start3A = arith.constant 0 : i32
    %dma_start3A_3 = arith.constant 0 : i32
    %dma_start3A_4 = tpu.memref_slice %arg5[%dma_start3A, %dma_start3A_3] : memref<25x128xi32, #tpu.memory_space<vmem>> -> memref<1x128xi32, #tpu.memory_space<vmem>>
    %dma_start3A_5 = tpu.memref_squeeze %dma_start3A_4 : memref<1x128xi32, #tpu.memory_space<vmem>> -> memref<128xi32, #tpu.memory_space<vmem>>
    %dma_start3A_6 = arith.constant 0 : i32
    %dma_start3A_7 = arith.constant 0 : i32
    %dma_start3A_8 = tpu.memref_slice %arg3[%dma_start3A_6, %dma_start3A_7] : memref<253952x128xf32, #tpu.memory_space<hbm>> -> memref<253952x128xf32, #tpu.memory_space<hbm>>
    tpu.enqueue_indirect_dma source(%dma_start3A_8 : memref<253952x128xf32, #tpu.memory_space<hbm>>) target(%arg6 : memref<128x128xf32, #tpu.memory_space<vmem>>) offsets(%dma_start3A_5 : memref<128xi32, #tpu.memory_space<vmem>>) semaphore(%arg8 : memref<!tpu.dma_semaphore, #tpu.memory_space<semaphore_mem>>)
    %scan3A = arith.constant 0 : i32
    %scan3A_9 = arith.constant 0 : i32
    %scan3A_10 = arith.constant 12 : i32
    %scan3A_11 = arith.addi %scan3A_9, %scan3A_10 : i32
    %scan3A_12 = arith.constant 1 : i32
    scf.for %scan3A_22 = %scan3A_9 to %scan3A_11 step %scan3A_12  : i32 {
      %mul3A_23 = arith.constant 2 : i32
      %mul3A_24 = arith.muli %scan3A_22, %mul3A_23 : i32
      %add3A_25 = arith.constant 0 : i32
      %add3A_26 = arith.addi %mul3A_24, %add3A_25 : i32
      %add3A_27 = arith.constant 1 : i32
      %add3A_28 = arith.addi %add3A_26, %add3A_27 : i32
      %lt3A = arith.constant 25 : i32
      %lt3A_29 = arith.cmpi slt, %add3A_28, %lt3A : i32
      %convert_element_type3A = arith.extui %lt3A_29 : i1 to i32
      %cond3A = arith.constant 0 : i32
      %cond3A_30 = arith.cmpi ne, %convert_element_type3A, %cond3A : i32
      scf.if %cond3A_30 {
        %add3A_60 = arith.constant 1 : i32
        %add3A_61 = arith.addi %add3A_26, %add3A_60 : i32
        %dma_start3A_62 = arith.constant 0 : i32
        %dma_start3A_63 = tpu.memref_slice %arg5[%add3A_61, %dma_start3A_62] : memref<25x128xi32, #tpu.memory_space<vmem>> -> memref<1x128xi32, #tpu.memory_space<vmem>>
        %dma_start3A_64 = tpu.memref_squeeze %dma_start3A_63 : memref<1x128xi32, #tpu.memory_space<vmem>> -> memref<128xi32, #tpu.memory_space<vmem>>
        %dma_start3A_65 = arith.constant 0 : i32
        %dma_start3A_66 = arith.constant 0 : i32
        %dma_start3A_67 = tpu.memref_slice %arg3[%dma_start3A_65, %dma_start3A_66] : memref<253952x128xf32, #tpu.memory_space<hbm>> -> memref<253952x128xf32, #tpu.memory_space<hbm>>
        tpu.enqueue_indirect_dma source(%dma_start3A_67 : memref<253952x128xf32, #tpu.memory_space<hbm>>) target(%arg7 : memref<128x128xf32, #tpu.memory_space<vmem>>) offsets(%dma_start3A_64 : memref<128xi32, #tpu.memory_space<vmem>>) semaphore(%arg9 : memref<!tpu.dma_semaphore, #tpu.memory_space<semaphore_mem>>)
      } else {
      }
      %dma_wait3A_31 = arith.constant 0 : i32
      %dma_wait3A_32 = tpu.memref_slice %arg5[%add3A_26, %dma_wait3A_31] : memref<25x128xi32, #tpu.memory_space<vmem>> -> memref<1x128xi32, #tpu.memory_space<vmem>>
      %dma_wait3A_33 = tpu.memref_squeeze %dma_wait3A_32 : memref<1x128xi32, #tpu.memory_space<vmem>> -> memref<128xi32, #tpu.memory_space<vmem>>
      %dma_wait3A_34 = arith.constant 0 : i32
      %dma_wait3A_35 = arith.constant 0 : i32
      %dma_wait3A_36 = tpu.memref_slice %arg3[%dma_wait3A_34, %dma_wait3A_35] : memref<253952x128xf32, #tpu.memory_space<hbm>> -> memref<253952x128xf32, #tpu.memory_space<hbm>>
      tpu.wait_indirect_dma semaphore(%arg8 : memref<!tpu.dma_semaphore, #tpu.memory_space<semaphore_mem>>) src(%dma_wait3A_36 : memref<253952x128xf32, #tpu.memory_space<hbm>>) dst(%arg6 : memref<128x128xf32, #tpu.memory_space<vmem>>)
      %mul3A_37 = arith.constant 128 : i32
      %mul3A_38 = arith.muli %add3A_26, %mul3A_37 : i32
      %add3A_39 = arith.addi %mul3A_2, %mul3A_38 : i32
      "tpu.region"() ({
        %run_scoped3A = tpu.sem_alloc : memref<!tpu.dma_semaphore, #tpu.memory_space<semaphore_mem>>
        %dma_start3A_60 = arith.constant 0 : i32
        %dma_start3A_61 = tpu.memref_slice %arg4[%add3A_39, %dma_start3A_60] : memref<102400x128xf32, #tpu.memory_space<hbm>> -> memref<128x128xf32, #tpu.memory_space<hbm>>
        %dma_start3A_62 = arith.constant 0 : i32
        %dma_start3A_63 = tpu.memref_slice %arg4[%add3A_39, %dma_start3A_62] : memref<102400x128xf32, #tpu.memory_space<hbm>> -> memref<128x128xf32, #tpu.memory_space<hbm>>
        tpu.enqueue_dma source(%arg6 : memref<128x128xf32, #tpu.memory_space<vmem>>) target(%dma_start3A_63 : memref<128x128xf32, #tpu.memory_space<hbm>>) target_semaphore(%run_scoped3A : memref<!tpu.dma_semaphore, #tpu.memory_space<semaphore_mem>>)
        %dma_wait3A_64 = arith.constant 0 : i32
        %dma_wait3A_65 = tpu.memref_slice %arg4[%add3A_39, %dma_wait3A_64] : memref<102400x128xf32, #tpu.memory_space<hbm>> -> memref<128x128xf32, #tpu.memory_space<hbm>>
        %dma_wait3A_66 = arith.constant 0 : i32
        %dma_wait3A_67 = tpu.memref_slice %arg4[%add3A_39, %dma_wait3A_66] : memref<102400x128xf32, #tpu.memory_space<hbm>> -> memref<128x128xf32, #tpu.memory_space<hbm>>
        tpu.wait_dma2 semaphore(%run_scoped3A : memref<!tpu.dma_semaphore, #tpu.memory_space<semaphore_mem>>) src(%arg6 : memref<128x128xf32, #tpu.memory_space<vmem>>) dst(%dma_wait3A_67 : memref<128x128xf32, #tpu.memory_space<hbm>>)
        tpu.yield
      }) : () -> ()
      %mul3A_40 = arith.constant 2 : i32
      %mul3A_41 = arith.muli %scan3A_22, %mul3A_40 : i32
      %add3A_42 = arith.constant 1 : i32
      %add3A_43 = arith.addi %mul3A_41, %add3A_42 : i32
      %add3A_44 = arith.constant 1 : i32
      %add3A_45 = arith.addi %add3A_43, %add3A_44 : i32
      %lt3A_46 = arith.constant 25 : i32
      %lt3A_47 = arith.cmpi slt, %add3A_45, %lt3A_46 : i32
      %convert_element_type3A_48 = arith.extui %lt3A_47 : i1 to i32
      %cond3A_49 = arith.constant 0 : i32
      %cond3A_50 = arith.cmpi ne, %convert_element_type3A_48, %cond3A_49 : i32
      scf.if %cond3A_50 {
        %add3A_60 = arith.constant 1 : i32
        %add3A_61 = arith.addi %add3A_43, %add3A_60 : i32
        %dma_start3A_62 = arith.constant 0 : i32
        %dma_start3A_63 = tpu.memref_slice %arg5[%add3A_61, %dma_start3A_62] : memref<25x128xi32, #tpu.memory_space<vmem>> -> memref<1x128xi32, #tpu.memory_space<vmem>>
        %dma_start3A_64 = tpu.memref_squeeze %dma_start3A_63 : memref<1x128xi32, #tpu.memory_space<vmem>> -> memref<128xi32, #tpu.memory_space<vmem>>
        %dma_start3A_65 = arith.constant 0 : i32
        %dma_start3A_66 = arith.constant 0 : i32
        %dma_start3A_67 = tpu.memref_slice %arg3[%dma_start3A_65, %dma_start3A_66] : memref<253952x128xf32, #tpu.memory_space<hbm>> -> memref<253952x128xf32, #tpu.memory_space<hbm>>
        tpu.enqueue_indirect_dma source(%dma_start3A_67 : memref<253952x128xf32, #tpu.memory_space<hbm>>) target(%arg6 : memref<128x128xf32, #tpu.memory_space<vmem>>) offsets(%dma_start3A_64 : memref<128xi32, #tpu.memory_space<vmem>>) semaphore(%arg8 : memref<!tpu.dma_semaphore, #tpu.memory_space<semaphore_mem>>)
      } else {
      }
      %dma_wait3A_51 = arith.constant 0 : i32
      %dma_wait3A_52 = tpu.memref_slice %arg5[%add3A_43, %dma_wait3A_51] : memref<25x128xi32, #tpu.memory_space<vmem>> -> memref<1x128xi32, #tpu.memory_space<vmem>>
      %dma_wait3A_53 = tpu.memref_squeeze %dma_wait3A_52 : memref<1x128xi32, #tpu.memory_space<vmem>> -> memref<128xi32, #tpu.memory_space<vmem>>
      %dma_wait3A_54 = arith.constant 0 : i32
      %dma_wait3A_55 = arith.constant 0 : i32
      %dma_wait3A_56 = tpu.memref_slice %arg3[%dma_wait3A_54, %dma_wait3A_55] : memref<253952x128xf32, #tpu.memory_space<hbm>> -> memref<253952x128xf32, #tpu.memory_space<hbm>>
      tpu.wait_indirect_dma semaphore(%arg9 : memref<!tpu.dma_semaphore, #tpu.memory_space<semaphore_mem>>) src(%dma_wait3A_56 : memref<253952x128xf32, #tpu.memory_space<hbm>>) dst(%arg7 : memref<128x128xf32, #tpu.memory_space<vmem>>)
      %mul3A_57 = arith.constant 128 : i32
      %mul3A_58 = arith.muli %add3A_43, %mul3A_57 : i32
      %add3A_59 = arith.addi %mul3A_2, %mul3A_58 : i32
      "tpu.region"() ({
        %run_scoped3A = tpu.sem_alloc : memref<!tpu.dma_semaphore, #tpu.memory_space<semaphore_mem>>
        %dma_start3A_60 = arith.constant 0 : i32
        %dma_start3A_61 = tpu.memref_slice %arg4[%add3A_59, %dma_start3A_60] : memref<102400x128xf32, #tpu.memory_space<hbm>> -> memref<128x128xf32, #tpu.memory_space<hbm>>
        %dma_start3A_62 = arith.constant 0 : i32
        %dma_start3A_63 = tpu.memref_slice %arg4[%add3A_59, %dma_start3A_62] : memref<102400x128xf32, #tpu.memory_space<hbm>> -> memref<128x128xf32, #tpu.memory_space<hbm>>
        tpu.enqueue_dma source(%arg7 : memref<128x128xf32, #tpu.memory_space<vmem>>) target(%dma_start3A_63 : memref<128x128xf32, #tpu.memory_space<hbm>>) target_semaphore(%run_scoped3A : memref<!tpu.dma_semaphore, #tpu.memory_space<semaphore_mem>>)
        %dma_wait3A_64 = arith.constant 0 : i32
        %dma_wait3A_65 = tpu.memref_slice %arg4[%add3A_59, %dma_wait3A_64] : memref<102400x128xf32, #tpu.memory_space<hbm>> -> memref<128x128xf32, #tpu.memory_space<hbm>>
        %dma_wait3A_66 = arith.constant 0 : i32
        %dma_wait3A_67 = tpu.memref_slice %arg4[%add3A_59, %dma_wait3A_66] : memref<102400x128xf32, #tpu.memory_space<hbm>> -> memref<128x128xf32, #tpu.memory_space<hbm>>
        tpu.wait_dma2 semaphore(%run_scoped3A : memref<!tpu.dma_semaphore, #tpu.memory_space<semaphore_mem>>) src(%arg7 : memref<128x128xf32, #tpu.memory_space<vmem>>) dst(%dma_wait3A_67 : memref<128x128xf32, #tpu.memory_space<hbm>>)
        tpu.yield
      }) : () -> ()
    }
    %scan3A_13 = arith.constant 12 : i32
    %dma_wait3A = arith.constant 24 : i32
    %dma_wait3A_14 = arith.constant 0 : i32
    %dma_wait3A_15 = tpu.memref_slice %arg5[%dma_wait3A, %dma_wait3A_14] : memref<25x128xi32, #tpu.memory_space<vmem>> -> memref<1x128xi32, #tpu.memory_space<vmem>>
    %dma_wait3A_16 = tpu.memref_squeeze %dma_wait3A_15 : memref<1x128xi32, #tpu.memory_space<vmem>> -> memref<128xi32, #tpu.memory_space<vmem>>
    %dma_wait3A_17 = arith.constant 0 : i32
    %dma_wait3A_18 = arith.constant 0 : i32
    %dma_wait3A_19 = tpu.memref_slice %arg3[%dma_wait3A_17, %dma_wait3A_18] : memref<253952x128xf32, #tpu.memory_space<hbm>> -> memref<253952x128xf32, #tpu.memory_space<hbm>>
    tpu.wait_indirect_dma semaphore(%arg8 : memref<!tpu.dma_semaphore, #tpu.memory_space<semaphore_mem>>) src(%dma_wait3A_19 : memref<253952x128xf32, #tpu.memory_space<hbm>>) dst(%arg6 : memref<128x128xf32, #tpu.memory_space<vmem>>)
    %add3A_20 = arith.constant 3072 : i32
    %add3A_21 = arith.addi %mul3A_2, %add3A_20 : i32
    "tpu.region"() ({
      %run_scoped3A = tpu.sem_alloc : memref<!tpu.dma_semaphore, #tpu.memory_space<semaphore_mem>>
      %dma_start3A_22 = arith.constant 0 : i32
      %dma_start3A_23 = tpu.memref_slice %arg4[%add3A_21, %dma_start3A_22] : memref<102400x128xf32, #tpu.memory_space<hbm>> -> memref<128x128xf32, #tpu.memory_space<hbm>>
      %dma_start3A_24 = arith.constant 0 : i32
      %dma_start3A_25 = tpu.memref_slice %arg4[%add3A_21, %dma_start3A_24] : memref<102400x128xf32, #tpu.memory_space<hbm>> -> memref<128x128xf32, #tpu.memory_space<hbm>>
      tpu.enqueue_dma source(%arg6 : memref<128x128xf32, #tpu.memory_space<vmem>>) target(%dma_start3A_25 : memref<128x128xf32, #tpu.memory_space<hbm>>) target_semaphore(%run_scoped3A : memref<!tpu.dma_semaphore, #tpu.memory_space<semaphore_mem>>)
      %dma_wait3A_26 = arith.constant 0 : i32
      %dma_wait3A_27 = tpu.memref_slice %arg4[%add3A_21, %dma_wait3A_26] : memref<102400x128xf32, #tpu.memory_space<hbm>> -> memref<128x128xf32, #tpu.memory_space<hbm>>
      %dma_wait3A_28 = arith.constant 0 : i32
      %dma_wait3A_29 = tpu.memref_slice %arg4[%add3A_21, %dma_wait3A_28] : memref<102400x128xf32, #tpu.memory_space<hbm>> -> memref<128x128xf32, #tpu.memory_space<hbm>>
      tpu.wait_dma2 semaphore(%run_scoped3A : memref<!tpu.dma_semaphore, #tpu.memory_space<semaphore_mem>>) src(%arg6 : memref<128x128xf32, #tpu.memory_space<vmem>>) dst(%dma_wait3A_29 : memref<128x128xf32, #tpu.memory_space<hbm>>)
      tpu.yield
    }) : () -> ()
    return
  }
}

#map = affine_map<(d0, d1) -> (0, 0, 0)>
#map1 = affine_map<(d0, d1) -> (0, 0)>
module attributes {stable_mosaic.version = 14 : i64} {
  func.func @sc_gather(%arg0: i32, %arg1: i32, %arg2: memref<32x25x128xi32, #tpu.memory_space<hbm>>, %arg3: memref<253952x128xf32, #tpu.memory_space<hbm>>, %arg4: memref<102400x128xf32, #tpu.memory_space<hbm>>, %arg5: memref<25x128xi32, #tpu.memory_space<vmem>>, %arg6: memref<128x128xf32, #tpu.memory_space<vmem>>, %arg7: memref<128x128xf32, #tpu.memory_space<vmem>>, %arg8: memref<!tpu.dma_semaphore, #tpu.memory_space<semaphore_mem>>, %arg9: memref<!tpu.dma_semaphore, #tpu.memory_space<semaphore_mem>>) attributes {dimension_semantics = [#tpu.dimension_semantics<core_parallel>, #tpu.dimension_semantics<subcore_parallel>], iteration_bounds = array<i64: 2, 16>, scalar_prefetch = 0 : i64, scratch_operands = 5 : i64, tpu.core_type = #tpu.core_type<sc_vector_subcore>, window_params = [{transform_indices = #map}, {transform_indices = #map1}, {transform_indices = #map1}]} {
    %mul3A = arith.constant 2 : i32
    %mul3A_0 = arith.muli %arg1, %mul3A : i32
    %add3A = arith.addi %mul3A_0, %arg0 : i32
    "tpu.region"() ({
      %run_scoped3A = tpu.sem_alloc : memref<!tpu.dma_semaphore, #tpu.memory_space<semaphore_mem>>
      %dma_start3A_22 = arith.constant 0 : i32
      %dma_start3A_23 = arith.constant 0 : i32
      %dma_start3A_24 = tpu.memref_slice %arg2[%add3A, %dma_start3A_22, %dma_start3A_23] : memref<32x25x128xi32, #tpu.memory_space<hbm>> -> memref<1x25x128xi32, #tpu.memory_space<hbm>>
      %dma_start3A_25 = tpu.memref_squeeze %dma_start3A_24 : memref<1x25x128xi32, #tpu.memory_space<hbm>> -> memref<25x128xi32, #tpu.memory_space<hbm>>
      %dma_start3A_26 = arith.constant 0 : i32
      %dma_start3A_27 = arith.constant 0 : i32
      %dma_start3A_28 = tpu.memref_slice %arg2[%add3A, %dma_start3A_26, %dma_start3A_27] : memref<32x25x128xi32, #tpu.memory_space<hbm>> -> memref<1x25x128xi32, #tpu.memory_space<hbm>>
      %dma_start3A_29 = tpu.memref_squeeze %dma_start3A_28 : memref<1x25x128xi32, #tpu.memory_space<hbm>> -> memref<25x128xi32, #tpu.memory_space<hbm>>
      tpu.enqueue_dma source(%dma_start3A_29 : memref<25x128xi32, #tpu.memory_space<hbm>>) target(%arg5 : memref<25x128xi32, #tpu.memory_space<vmem>>) target_semaphore(%run_scoped3A : memref<!tpu.dma_semaphore, #tpu.memory_space<semaphore_mem>>)
      %dma_wait3A_30 = arith.constant 0 : i32
      %dma_wait3A_31 = arith.constant 0 : i32
      %dma_wait3A_32 = tpu.memref_slice %arg2[%add3A, %dma_wait3A_30, %dma_wait3A_31] : memref<32x25x128xi32, #tpu.memory_space<hbm>> -> memref<1x25x128xi32, #tpu.memory_space<hbm>>
      %dma_wait3A_33 = tpu.memref_squeeze %dma_wait3A_32 : memref<1x25x128xi32, #tpu.memory_space<hbm>> -> memref<25x128xi32, #tpu.memory_space<hbm>>
      %dma_wait3A_34 = arith.constant 0 : i32
      %dma_wait3A_35 = arith.constant 0 : i32
      %dma_wait3A_36 = tpu.memref_slice %arg2[%add3A, %dma_wait3A_34, %dma_wait3A_35] : memref<32x25x128xi32, #tpu.memory_space<hbm>> -> memref<1x25x128xi32, #tpu.memory_space<hbm>>
      %dma_wait3A_37 = tpu.memref_squeeze %dma_wait3A_36 : memref<1x25x128xi32, #tpu.memory_space<hbm>> -> memref<25x128xi32, #tpu.memory_space<hbm>>
      tpu.wait_dma2 semaphore(%run_scoped3A : memref<!tpu.dma_semaphore, #tpu.memory_space<semaphore_mem>>) src(%dma_wait3A_37 : memref<25x128xi32, #tpu.memory_space<hbm>>) dst(%arg5 : memref<25x128xi32, #tpu.memory_space<vmem>>)
      tpu.yield
    }) : () -> ()
    %mul3A_1 = arith.constant 3200 : i32
    %mul3A_2 = arith.muli %add3A, %mul3A_1 : i32
    %dma_start3A = arith.constant 0 : i32
    %dma_start3A_3 = arith.constant 0 : i32
    %dma_start3A_4 = tpu.memref_slice %arg5[%dma_start3A, %dma_start3A_3] : memref<25x128xi32, #tpu.memory_space<vmem>> -> memref<1x128xi32, #tpu.memory_space<vmem>>
    %dma_start3A_5 = tpu.memref_squeeze %dma_start3A_4 : memref<1x128xi32, #tpu.memory_space<vmem>> -> memref<128xi32, #tpu.memory_space<vmem>>
    %dma_start3A_6 = arith.constant 0 : i32
    %dma_start3A_7 = arith.constant 0 : i32
    %dma_start3A_8 = tpu.memref_slice %arg3[%dma_start3A_6, %dma_start3A_7] : memref<253952x128xf32, #tpu.memory_space<hbm>> -> memref<253952x128xf32, #tpu.memory_space<hbm>>
    tpu.enqueue_indirect_dma source(%dma_start3A_8 : memref<253952x128xf32, #tpu.memory_space<hbm>>) target(%arg6 : memref<128x128xf32, #tpu.memory_space<vmem>>) offsets(%dma_start3A_5 : memref<128xi32, #tpu.memory_space<vmem>>) semaphore(%arg8 : memref<!tpu.dma_semaphore, #tpu.memory_space<semaphore_mem>>)
    %scan3A = arith.constant 0 : i32
    %scan3A_9 = arith.constant 0 : i32
    %scan3A_10 = arith.constant 12 : i32
    %scan3A_11 = arith.addi %scan3A_9, %scan3A_10 : i32
    %scan3A_12 = arith.constant 1 : i32
    scf.for %scan3A_22 = %scan3A_9 to %scan3A_11 step %scan3A_12  : i32 {
      %mul3A_23 = arith.constant 2 : i32
      %mul3A_24 = arith.muli %scan3A_22, %mul3A_23 : i32
      %add3A_25 = arith.constant 0 : i32
      %add3A_26 = arith.addi %mul3A_24, %add3A_25 : i32
      %add3A_27 = arith.constant 1 : i32
      %add3A_28 = arith.addi %add3A_26, %add3A_27 : i32
      %lt3A = arith.constant 25 : i32
      %lt3A_29 = arith.cmpi slt, %add3A_28, %lt3A : i32
      %convert_element_type3A = arith.extui %lt3A_29 : i1 to i32
      %cond3A = arith.constant 0 : i32
      %cond3A_30 = arith.cmpi ne, %convert_element_type3A, %cond3A : i32
      scf.if %cond3A_30 {
        %add3A_60 = arith.constant 1 : i32
        %add3A_61 = arith.addi %add3A_26, %add3A_60 : i32
        %dma_start3A_62 = arith.constant 0 : i32
        %dma_start3A_63 = tpu.memref_slice %arg5[%add3A_61, %dma_start3A_62] : memref<25x128xi32, #tpu.memory_space<vmem>> -> memref<1x128xi32, #tpu.memory_space<vmem>>
        %dma_start3A_64 = tpu.memref_squeeze %dma_start3A_63 : memref<1x128xi32, #tpu.memory_space<vmem>> -> memref<128xi32, #tpu.memory_space<vmem>>
        %dma_start3A_65 = arith.constant 0 : i32
        %dma_start3A_66 = arith.constant 0 : i32
        %dma_start3A_67 = tpu.memref_slice %arg3[%dma_start3A_65, %dma_start3A_66] : memref<253952x128xf32, #tpu.memory_space<hbm>> -> memref<253952x128xf32, #tpu.memory_space<hbm>>
        tpu.enqueue_indirect_dma source(%dma_start3A_67 : memref<253952x128xf32, #tpu.memory_space<hbm>>) target(%arg7 : memref<128x128xf32, #tpu.memory_space<vmem>>) offsets(%dma_start3A_64 : memref<128xi32, #tpu.memory_space<vmem>>) semaphore(%arg9 : memref<!tpu.dma_semaphore, #tpu.memory_space<semaphore_mem>>)
      } else {
      }
      %dma_wait3A_31 = arith.constant 0 : i32
      %dma_wait3A_32 = tpu.memref_slice %arg5[%add3A_26, %dma_wait3A_31] : memref<25x128xi32, #tpu.memory_space<vmem>> -> memref<1x128xi32, #tpu.memory_space<vmem>>
      %dma_wait3A_33 = tpu.memref_squeeze %dma_wait3A_32 : memref<1x128xi32, #tpu.memory_space<vmem>> -> memref<128xi32, #tpu.memory_space<vmem>>
      %dma_wait3A_34 = arith.constant 0 : i32
      %dma_wait3A_35 = arith.constant 0 : i32
      %dma_wait3A_36 = tpu.memref_slice %arg3[%dma_wait3A_34, %dma_wait3A_35] : memref<253952x128xf32, #tpu.memory_space<hbm>> -> memref<253952x128xf32, #tpu.memory_space<hbm>>
      tpu.wait_indirect_dma semaphore(%arg8 : memref<!tpu.dma_semaphore, #tpu.memory_space<semaphore_mem>>) src(%dma_wait3A_36 : memref<253952x128xf32, #tpu.memory_space<hbm>>) dst(%arg6 : memref<128x128xf32, #tpu.memory_space<vmem>>)
      %mul3A_37 = arith.constant 128 : i32
      %mul3A_38 = arith.muli %add3A_26, %mul3A_37 : i32
      %add3A_39 = arith.addi %mul3A_2, %mul3A_38 : i32
      "tpu.region"() ({
        %run_scoped3A = tpu.sem_alloc : memref<!tpu.dma_semaphore, #tpu.memory_space<semaphore_mem>>
        %dma_start3A_60 = arith.constant 0 : i32
        %dma_start3A_61 = tpu.memref_slice %arg4[%add3A_39, %dma_start3A_60] : memref<102400x128xf32, #tpu.memory_space<hbm>> -> memref<128x128xf32, #tpu.memory_space<hbm>>
        %dma_start3A_62 = arith.constant 0 : i32
        %dma_start3A_63 = tpu.memref_slice %arg4[%add3A_39, %dma_start3A_62] : memref<102400x128xf32, #tpu.memory_space<hbm>> -> memref<128x128xf32, #tpu.memory_space<hbm>>
        tpu.enqueue_dma source(%arg6 : memref<128x128xf32, #tpu.memory_space<vmem>>) target(%dma_start3A_63 : memref<128x128xf32, #tpu.memory_space<hbm>>) target_semaphore(%run_scoped3A : memref<!tpu.dma_semaphore, #tpu.memory_space<semaphore_mem>>)
        %dma_wait3A_64 = arith.constant 0 : i32
        %dma_wait3A_65 = tpu.memref_slice %arg4[%add3A_39, %dma_wait3A_64] : memref<102400x128xf32, #tpu.memory_space<hbm>> -> memref<128x128xf32, #tpu.memory_space<hbm>>
        %dma_wait3A_66 = arith.constant 0 : i32
        %dma_wait3A_67 = tpu.memref_slice %arg4[%add3A_39, %dma_wait3A_66] : memref<102400x128xf32, #tpu.memory_space<hbm>> -> memref<128x128xf32, #tpu.memory_space<hbm>>
        tpu.wait_dma2 semaphore(%run_scoped3A : memref<!tpu.dma_semaphore, #tpu.memory_space<semaphore_mem>>) src(%arg6 : memref<128x128xf32, #tpu.memory_space<vmem>>) dst(%dma_wait3A_67 : memref<128x128xf32, #tpu.memory_space<hbm>>)
        tpu.yield
      }) : () -> ()
      %mul3A_40 = arith.constant 2 : i32
      %mul3A_41 = arith.muli %scan3A_22, %mul3A_40 : i32
      %add3A_42 = arith.constant 1 : i32
      %add3A_43 = arith.addi %mul3A_41, %add3A_42 : i32
      %add3A_44 = arith.constant 1 : i32
      %add3A_45 = arith.addi %add3A_43, %add3A_44 : i32
      %lt3A_46 = arith.constant 25 : i32
      %lt3A_47 = arith.cmpi slt, %add3A_45, %lt3A_46 : i32
      %convert_element_type3A_48 = arith.extui %lt3A_47 : i1 to i32
      %cond3A_49 = arith.constant 0 : i32
      %cond3A_50 = arith.cmpi ne, %convert_element_type3A_48, %cond3A_49 : i32
      scf.if %cond3A_50 {
        %add3A_60 = arith.constant 1 : i32
        %add3A_61 = arith.addi %add3A_43, %add3A_60 : i32
        %dma_start3A_62 = arith.constant 0 : i32
        %dma_start3A_63 = tpu.memref_slice %arg5[%add3A_61, %dma_start3A_62] : memref<25x128xi32, #tpu.memory_space<vmem>> -> memref<1x128xi32, #tpu.memory_space<vmem>>
        %dma_start3A_64 = tpu.memref_squeeze %dma_start3A_63 : memref<1x128xi32, #tpu.memory_space<vmem>> -> memref<128xi32, #tpu.memory_space<vmem>>
        %dma_start3A_65 = arith.constant 0 : i32
        %dma_start3A_66 = arith.constant 0 : i32
        %dma_start3A_67 = tpu.memref_slice %arg3[%dma_start3A_65, %dma_start3A_66] : memref<253952x128xf32, #tpu.memory_space<hbm>> -> memref<253952x128xf32, #tpu.memory_space<hbm>>
        tpu.enqueue_indirect_dma source(%dma_start3A_67 : memref<253952x128xf32, #tpu.memory_space<hbm>>) target(%arg6 : memref<128x128xf32, #tpu.memory_space<vmem>>) offsets(%dma_start3A_64 : memref<128xi32, #tpu.memory_space<vmem>>) semaphore(%arg8 : memref<!tpu.dma_semaphore, #tpu.memory_space<semaphore_mem>>)
      } else {
      }
      %dma_wait3A_51 = arith.constant 0 : i32
      %dma_wait3A_52 = tpu.memref_slice %arg5[%add3A_43, %dma_wait3A_51] : memref<25x128xi32, #tpu.memory_space<vmem>> -> memref<1x128xi32, #tpu.memory_space<vmem>>
      %dma_wait3A_53 = tpu.memref_squeeze %dma_wait3A_52 : memref<1x128xi32, #tpu.memory_space<vmem>> -> memref<128xi32, #tpu.memory_space<vmem>>
      %dma_wait3A_54 = arith.constant 0 : i32
      %dma_wait3A_55 = arith.constant 0 : i32
      %dma_wait3A_56 = tpu.memref_slice %arg3[%dma_wait3A_54, %dma_wait3A_55] : memref<253952x128xf32, #tpu.memory_space<hbm>> -> memref<253952x128xf32, #tpu.memory_space<hbm>>
      tpu.wait_indirect_dma semaphore(%arg9 : memref<!tpu.dma_semaphore, #tpu.memory_space<semaphore_mem>>) src(%dma_wait3A_56 : memref<253952x128xf32, #tpu.memory_space<hbm>>) dst(%arg7 : memref<128x128xf32, #tpu.memory_space<vmem>>)
      %mul3A_57 = arith.constant 128 : i32
      %mul3A_58 = arith.muli %add3A_43, %mul3A_57 : i32
      %add3A_59 = arith.addi %mul3A_2, %mul3A_58 : i32
      "tpu.region"() ({
        %run_scoped3A = tpu.sem_alloc : memref<!tpu.dma_semaphore, #tpu.memory_space<semaphore_mem>>
        %dma_start3A_60 = arith.constant 0 : i32
        %dma_start3A_61 = tpu.memref_slice %arg4[%add3A_59, %dma_start3A_60] : memref<102400x128xf32, #tpu.memory_space<hbm>> -> memref<128x128xf32, #tpu.memory_space<hbm>>
        %dma_start3A_62 = arith.constant 0 : i32
        %dma_start3A_63 = tpu.memref_slice %arg4[%add3A_59, %dma_start3A_62] : memref<102400x128xf32, #tpu.memory_space<hbm>> -> memref<128x128xf32, #tpu.memory_space<hbm>>
        tpu.enqueue_dma source(%arg7 : memref<128x128xf32, #tpu.memory_space<vmem>>) target(%dma_start3A_63 : memref<128x128xf32, #tpu.memory_space<hbm>>) target_semaphore(%run_scoped3A : memref<!tpu.dma_semaphore, #tpu.memory_space<semaphore_mem>>)
        %dma_wait3A_64 = arith.constant 0 : i32
        %dma_wait3A_65 = tpu.memref_slice %arg4[%add3A_59, %dma_wait3A_64] : memref<102400x128xf32, #tpu.memory_space<hbm>> -> memref<128x128xf32, #tpu.memory_space<hbm>>
        %dma_wait3A_66 = arith.constant 0 : i32
        %dma_wait3A_67 = tpu.memref_slice %arg4[%add3A_59, %dma_wait3A_66] : memref<102400x128xf32, #tpu.memory_space<hbm>> -> memref<128x128xf32, #tpu.memory_space<hbm>>
        tpu.wait_dma2 semaphore(%run_scoped3A : memref<!tpu.dma_semaphore, #tpu.memory_space<semaphore_mem>>) src(%arg7 : memref<128x128xf32, #tpu.memory_space<vmem>>) dst(%dma_wait3A_67 : memref<128x128xf32, #tpu.memory_space<hbm>>)
        tpu.yield
      }) : () -> ()
    }
    %scan3A_13 = arith.constant 12 : i32
    %dma_wait3A = arith.constant 24 : i32
    %dma_wait3A_14 = arith.constant 0 : i32
    %dma_wait3A_15 = tpu.memref_slice %arg5[%dma_wait3A, %dma_wait3A_14] : memref<25x128xi32, #tpu.memory_space<vmem>> -> memref<1x128xi32, #tpu.memory_space<vmem>>
    %dma_wait3A_16 = tpu.memref_squeeze %dma_wait3A_15 : memref<1x128xi32, #tpu.memory_space<vmem>> -> memref<128xi32, #tpu.memory_space<vmem>>
    %dma_wait3A_17 = arith.constant 0 : i32
    %dma_wait3A_18 = arith.constant 0 : i32
    %dma_wait3A_19 = tpu.memref_slice %arg3[%dma_wait3A_17, %dma_wait3A_18] : memref<253952x128xf32, #tpu.memory_space<hbm>> -> memref<253952x128xf32, #tpu.memory_space<hbm>>
    tpu.wait_indirect_dma semaphore(%arg8 : memref<!tpu.dma_semaphore, #tpu.memory_space<semaphore_mem>>) src(%dma_wait3A_19 : memref<253952x128xf32, #tpu.memory_space<hbm>>) dst(%arg6 : memref<128x128xf32, #tpu.memory_space<vmem>>)
    %add3A_20 = arith.constant 3072 : i32
    %add3A_21 = arith.addi %mul3A_2, %add3A_20 : i32
    "tpu.region"() ({
      %run_scoped3A = tpu.sem_alloc : memref<!tpu.dma_semaphore, #tpu.memory_space<semaphore_mem>>
      %dma_start3A_22 = arith.constant 0 : i32
      %dma_start3A_23 = tpu.memref_slice %arg4[%add3A_21, %dma_start3A_22] : memref<102400x128xf32, #tpu.memory_space<hbm>> -> memref<128x128xf32, #tpu.memory_space<hbm>>
      %dma_start3A_24 = arith.constant 0 : i32
      %dma_start3A_25 = tpu.memref_slice %arg4[%add3A_21, %dma_start3A_24] : memref<102400x128xf32, #tpu.memory_space<hbm>> -> memref<128x128xf32, #tpu.memory_space<hbm>>
      tpu.enqueue_dma source(%arg6 : memref<128x128xf32, #tpu.memory_space<vmem>>) target(%dma_start3A_25 : memref<128x128xf32, #tpu.memory_space<hbm>>) target_semaphore(%run_scoped3A : memref<!tpu.dma_semaphore, #tpu.memory_space<semaphore_mem>>)
      %dma_wait3A_26 = arith.constant 0 : i32
      %dma_wait3A_27 = tpu.memref_slice %arg4[%add3A_21, %dma_wait3A_26] : memref<102400x128xf32, #tpu.memory_space<hbm>> -> memref<128x128xf32, #tpu.memory_space<hbm>>
      %dma_wait3A_28 = arith.constant 0 : i32
      %dma_wait3A_29 = tpu.memref_slice %arg4[%add3A_21, %dma_wait3A_28] : memref<102400x128xf32, #tpu.memory_space<hbm>> -> memref<128x128xf32, #tpu.memory_space<hbm>>
      tpu.wait_dma2 semaphore(%run_scoped3A : memref<!tpu.dma_semaphore, #tpu.memory_space<semaphore_mem>>) src(%arg6 : memref<128x128xf32, #tpu.memory_space<vmem>>) dst(%dma_wait3A_29 : memref<128x128xf32, #tpu.memory_space<hbm>>)
      tpu.yield
    }) : () -> ()
    return
  }
}

module attributes {stable_mosaic.version = 14 : i64} {
  func.func @_repack_kernel(%arg0: i32, %arg1: memref<32x32768xf32, #tpu.memory_space<vmem>>, %arg2: memref<32x512xf32, #tpu.memory_space<vmem>>, %arg3: memref<8192x128xf32, #tpu.memory_space<vmem>>) attributes {dimension_semantics = [#tpu.dimension_semantics<arbitrary>], iteration_bounds = array<i64: 31>, scalar_prefetch = 0 : i64, scratch_operands = 0 : i64, tpu.core_type = #tpu.core_type<tc>, window_params = [{transform_indices = @transform_0, window_bounds = array<i64: 32, 32768>}, {pipeline_mode = #tpu.pipeline_mode<synchronous>, transform_indices = @transform_1, window_bounds = array<i64: 32, 512>}, {transform_indices = @transform_2, window_bounds = array<i64: 8192, 128>}]} {
    %mul3A = arith.constant 32768 : i32
    %mul3A_0 = arith.muli %arg0, %mul3A : i32
    %sub3A = arith.constant 1000000 : i32
    %sub3A_1 = arith.subi %sub3A, %mul3A_0 : i32
    %iota3A = tpu.iota {dimensions = array<i32: 1>} : vector<32x32768xi32>
    %lt3A = vector.broadcast %sub3A_1 : i32 to vector<32x32768xi32>
    %lt3A_2 = arith.cmpi slt, %iota3A, %lt3A : vector<32x32768xi32>
    %get3A = arith.constant 0 : index
    %get3A_3 = arith.constant 0 : index
    %get3A_4 = vector.load %arg1[%get3A, %get3A_3] : memref<32x32768xf32, #tpu.memory_space<vmem>>, vector<32x32768xf32>
    %jit3A = arith.constant 0.000000e+00 : f32
    %broadcast_in_dim3A = vector.broadcast %jit3A : f32 to vector<32x32768xf32>
    %select_n3A = arith.select %lt3A_2, %get3A_4, %broadcast_in_dim3A : vector<32x32768xi1>, vector<32x32768xf32>
    %slice3A = vector.extract_strided_slice %select_n3A {offsets = [0, 0], sizes = [32, 8192], strides = [1, 1]} : vector<32x32768xf32> to vector<32x8192xf32>
    %get3A_5 = arith.constant 0 : index
    %get3A_6 = arith.constant 0 : index
    %get3A_7 = vector.load %arg2[%get3A_5, %get3A_6] : memref<32x512xf32, #tpu.memory_space<vmem>>, vector<32x128xf32>
    %dot_general3A = arith.constant dense<0.000000e+00> : vector<8192x128xf32>
    %dot_general3A_8 = tpu.matmul %slice3A, %get3A_7, %dot_general3A {dimension_numbers = #tpu.dot_dimension_numbers<[0], [0], [1], [1], [0, 1, 1, 1], [], []>, transpose_lhs_hint = true} : vector<32x8192xf32>, vector<32x128xf32>, vector<8192x128xf32> -> vector<8192x128xf32>
    %slice3A_9 = vector.extract_strided_slice %select_n3A {offsets = [0, 8192], sizes = [32, 8192], strides = [1, 1]} : vector<32x32768xf32> to vector<32x8192xf32>
    %get3A_10 = arith.constant 0 : index
    %get3A_11 = arith.constant 128 : index
    %get3A_12 = vector.load %arg2[%get3A_10, %get3A_11] : memref<32x512xf32, #tpu.memory_space<vmem>>, vector<32x128xf32>
    %dot_general3A_13 = arith.constant dense<0.000000e+00> : vector<8192x128xf32>
    %dot_general3A_14 = tpu.matmul %slice3A_9, %get3A_12, %dot_general3A_13 {dimension_numbers = #tpu.dot_dimension_numbers<[0], [0], [1], [1], [0, 1, 1, 1], [], []>, transpose_lhs_hint = true} : vector<32x8192xf32>, vector<32x128xf32>, vector<8192x128xf32> -> vector<8192x128xf32>
    %add3A = arith.addf %dot_general3A_8, %dot_general3A_14 : vector<8192x128xf32>
    %slice3A_15 = vector.extract_strided_slice %select_n3A {offsets = [0, 16384], sizes = [32, 8192], strides = [1, 1]} : vector<32x32768xf32> to vector<32x8192xf32>
    %get3A_16 = arith.constant 0 : index
    %get3A_17 = arith.constant 256 : index
    %get3A_18 = vector.load %arg2[%get3A_16, %get3A_17] : memref<32x512xf32, #tpu.memory_space<vmem>>, vector<32x128xf32>
    %dot_general3A_19 = arith.constant dense<0.000000e+00> : vector<8192x128xf32>
    %dot_general3A_20 = tpu.matmul %slice3A_15, %get3A_18, %dot_general3A_19 {dimension_numbers = #tpu.dot_dimension_numbers<[0], [0], [1], [1], [0, 1, 1, 1], [], []>, transpose_lhs_hint = true} : vector<32x8192xf32>, vector<32x128xf32>, vector<8192x128xf32> -> vector<8192x128xf32>
    %add3A_21 = arith.addf %add3A, %dot_general3A_20 : vector<8192x128xf32>
    %slice3A_22 = vector.extract_strided_slice %select_n3A {offsets = [0, 24576], sizes = [32, 8192], strides = [1, 1]} : vector<32x32768xf32> to vector<32x8192xf32>
    %get3A_23 = arith.constant 0 : index
    %get3A_24 = arith.constant 384 : index
    %get3A_25 = vector.load %arg2[%get3A_23, %get3A_24] : memref<32x512xf32, #tpu.memory_space<vmem>>, vector<32x128xf32>
    %dot_general3A_26 = arith.constant dense<0.000000e+00> : vector<8192x128xf32>
    %dot_general3A_27 = tpu.matmul %slice3A_22, %get3A_25, %dot_general3A_26 {dimension_numbers = #tpu.dot_dimension_numbers<[0], [0], [1], [1], [0, 1, 1, 1], [], []>, transpose_lhs_hint = true} : vector<32x8192xf32>, vector<32x128xf32>, vector<8192x128xf32> -> vector<8192x128xf32>
    %add3A_28 = arith.addf %add3A_21, %dot_general3A_27 : vector<8192x128xf32>
    %swap3A = arith.constant 0 : index
    %swap3A_29 = arith.constant 0 : index
    %swap3A_30 = vector.load %arg3[%swap3A, %swap3A_29] : memref<8192x128xf32, #tpu.memory_space<vmem>>, vector<8192x128xf32>
    tpu.vector_store %arg3[%swap3A, %swap3A_29], %add3A_28 {strides = array<i32>} : memref<8192x128xf32, #tpu.memory_space<vmem>>, vector<8192x128xf32>,
    return
  }
  func.func @transform_0(%arg0: i32) -> (i32, i32) {
    %c0_i32 = arith.constant 0 : i32
    %c0_i32_0 = arith.constant 0 : i32
    return %c0_i32, %arg0 : i32, i32
  }
  func.func @transform_1(%arg0: i32) -> (i32, i32) {
    %c0_i32 = arith.constant 0 : i32
    %c0_i32_0 = arith.constant 0 : i32
    %c0_i32_1 = arith.constant 0 : i32
    return %c0_i32, %c0_i32_0 : i32, i32
  }
  func.func @transform_2(%arg0: i32) -> (i32, i32) {
    %c0_i32 = arith.constant 0 : i32
    %c0_i32_0 = arith.constant 0 : i32
    return %arg0, %c0_i32 : i32, i32
  }
}

module attributes {stable_mosaic.version = 14 : i64} {
  func.func @_lstm_first_kernel(%arg0: i32, %arg1: memref<4096x128xf32, #tpu.memory_space<vmem>>, %arg2: memref<1x1x4096xi32, #tpu.memory_space<vmem>>, %arg3: memref<128x256xf32, #tpu.memory_space<vmem>>, %arg4: memref<64x256xf32, #tpu.memory_space<vmem>>, %arg5: memref<1x256xf32, #tpu.memory_space<vmem>>, %arg6: memref<4096x64xf32, #tpu.memory_space<vmem>>, %arg7: memref<4096x64xf32, #tpu.memory_space<vmem>>, %arg8: memref<4096x64xf32, #tpu.memory_space<vmem>>, %arg9: memref<4096x64xf32, #tpu.memory_space<vmem>>) attributes {dimension_semantics = [#tpu.dimension_semantics<arbitrary>], iteration_bounds = array<i64: 25>, scalar_prefetch = 0 : i64, scratch_operands = 2 : i64, tpu.core_type = #tpu.core_type<tc>, window_params = [{transform_indices = @transform_0, window_bounds = array<i64: 4096, 128>}, {transform_indices = @transform_1, window_bounds = array<i64: 1, 1, 4096>}, {pipeline_mode = #tpu.pipeline_mode<synchronous>, transform_indices = @transform_2, window_bounds = array<i64: 128, 256>}, {pipeline_mode = #tpu.pipeline_mode<synchronous>, transform_indices = @transform_3, window_bounds = array<i64: 64, 256>}, {pipeline_mode = #tpu.pipeline_mode<synchronous>, transform_indices = @transform_4, window_bounds = array<i64: 1, 256>}, {pipeline_mode = #tpu.pipeline_mode<synchronous>, transform_indices = @transform_5, window_bounds = array<i64: 4096, 64>}, {pipeline_mode = #tpu.pipeline_mode<synchronous>, transform_indices = @transform_6, window_bounds = array<i64: 4096, 64>}]} {
    %eq3A = arith.constant 0 : i32
    %eq3A_0 = arith.cmpi eq, %arg0, %eq3A : i32
    %convert_element_type3A = arith.extui %eq3A_0 : i1 to i32
    %cond3A = arith.constant 0 : i32
    %cond3A_1 = arith.cmpi ne, %convert_element_type3A, %cond3A : i32
    scf.if %cond3A_1 {
      %broadcast_in_dim3A_90 = arith.constant 0.000000e+00 : f32
      %broadcast_in_dim3A_91 = vector.broadcast %broadcast_in_dim3A_90 : f32 to vector<4096x64xf32>
      %swap3A_92 = arith.constant 0 : index
      %swap3A_93 = arith.constant 0 : index
      %swap3A_94 = vector.load %arg8[%swap3A_92, %swap3A_93] : memref<4096x64xf32, #tpu.memory_space<vmem>>, vector<4096x64xf32>
      tpu.vector_store %arg8[%swap3A_92, %swap3A_93], %broadcast_in_dim3A_91 {strides = array<i32>} : memref<4096x64xf32, #tpu.memory_space<vmem>>, vector<4096x64xf32>,
      %broadcast_in_dim3A_95 = arith.constant 0.000000e+00 : f32
      %broadcast_in_dim3A_96 = vector.broadcast %broadcast_in_dim3A_95 : f32 to vector<4096x64xf32>
      %swap3A_97 = arith.constant 0 : index
      %swap3A_98 = arith.constant 0 : index
      %swap3A_99 = vector.load %arg9[%swap3A_97, %swap3A_98] : memref<4096x64xf32, #tpu.memory_space<vmem>>, vector<4096x64xf32>
      tpu.vector_store %arg9[%swap3A_97, %swap3A_98], %broadcast_in_dim3A_96 {strides = array<i32>} : memref<4096x64xf32, #tpu.memory_space<vmem>>, vector<4096x64xf32>,
    } else {
    }
    %get3A = arith.constant 0 : index
    %get3A_2 = arith.constant 0 : index
    %get3A_3 = arith.constant 0 : index
    %get3A_4 = vector.load %arg2[%get3A, %get3A_2, %get3A_3] : memref<1x1x4096xi32, #tpu.memory_space<vmem>>, vector<1x1x4096xi32>
    %get3A_5 = vector.shape_cast %get3A_4 : vector<1x1x4096xi32> to vector<1x4096xi32>
    %transpose3A = tpu.transpose %get3A_5, [1, 0] : vector<1x4096xi32> -> vector<4096x1xi32>
    %iota3A = tpu.iota {dimensions = array<i32: 1>} : vector<4096x128xi32>
    %jit3A = arith.constant 32 : i32
    %div3A = vector.broadcast %jit3A : i32 to vector<4096x128xi32>
    %div3A_6 = arith.divsi %iota3A, %div3A : vector<4096x128xi32>
    %sign3A = arith.constant 0 : i32
    %sign3A_7 = vector.broadcast %sign3A : i32 to vector<4096x128xi32>
    %sign3A_8 = arith.cmpi sgt, %iota3A, %sign3A_7 : vector<4096x128xi32>
    %sign3A_9 = arith.extui %sign3A_8 : vector<4096x128xi1> to vector<4096x128xi32>
    %sign3A_10 = arith.constant 0 : i32
    %sign3A_11 = vector.broadcast %sign3A_10 : i32 to vector<4096x128xi32>
    %sign3A_12 = arith.cmpi slt, %iota3A, %sign3A_11 : vector<4096x128xi32>
    %sign3A_13 = arith.extui %sign3A_12 : vector<4096x128xi1> to vector<4096x128xi32>
    %sign3A_14 = arith.subi %sign3A_9, %sign3A_13 : vector<4096x128xi32>
    %sign3A_15 = arith.constant 0 : i32
    %sign3A_16 = arith.cmpi sgt, %jit3A, %sign3A_15 : i32
    %sign3A_17 = arith.extui %sign3A_16 : i1 to i32
    %sign3A_18 = arith.constant 0 : i32
    %sign3A_19 = arith.cmpi slt, %jit3A, %sign3A_18 : i32
    %sign3A_20 = arith.extui %sign3A_19 : i1 to i32
    %sign3A_21 = arith.subi %sign3A_17, %sign3A_20 : i32
    %ne3A = vector.broadcast %sign3A_21 : i32 to vector<4096x128xi32>
    %ne3A_22 = arith.cmpi ne, %sign3A_14, %ne3A : vector<4096x128xi32>
    %rem3A = vector.broadcast %jit3A : i32 to vector<4096x128xi32>
    %rem3A_23 = arith.remsi %iota3A, %rem3A : vector<4096x128xi32>
    %ne3A_24 = arith.constant 0 : i32
    %ne3A_25 = vector.broadcast %ne3A_24 : i32 to vector<4096x128xi32>
    %ne3A_26 = arith.cmpi ne, %rem3A_23, %ne3A_25 : vector<4096x128xi32>
    %and3A = arith.andi %ne3A_22, %ne3A_26 : vector<4096x128xi1>
    %sub3A = arith.constant 1 : i32
    %sub3A_27 = vector.broadcast %sub3A : i32 to vector<4096x128xi32>
    %sub3A_28 = arith.subi %div3A_6, %sub3A_27 : vector<4096x128xi32>
    %select_n3A = arith.select %and3A, %sub3A_28, %div3A_6 : vector<4096x128xi1>, vector<4096x128xi32>
    %eq3A_29 = vector.broadcast %transpose3A : vector<4096x1xi32> to vector<4096x128xi32>
    %eq3A_30 = arith.cmpi eq, %select_n3A, %eq3A_29 : vector<4096x128xi32>
    %get3A_31 = arith.constant 0 : index
    %get3A_32 = arith.constant 0 : index
    %get3A_33 = vector.load %arg1[%get3A_31, %get3A_32] : memref<4096x128xf32, #tpu.memory_space<vmem>>, vector<4096x128xf32>
    %jit3A_34 = arith.constant 0.000000e+00 : f32
    %broadcast_in_dim3A = vector.broadcast %jit3A_34 : f32 to vector<4096x128xf32>
    %select_n3A_35 = arith.select %eq3A_30, %get3A_33, %broadcast_in_dim3A : vector<4096x128xi1>, vector<4096x128xf32>
    %get3A_36 = arith.constant 0 : index
    %get3A_37 = arith.constant 0 : index
    %get3A_38 = vector.load %arg8[%get3A_36, %get3A_37] : memref<4096x64xf32, #tpu.memory_space<vmem>>, vector<4096x64xf32>
    %get3A_39 = arith.constant 0 : index
    %get3A_40 = arith.constant 0 : index
    %get3A_41 = vector.load %arg9[%get3A_39, %get3A_40] : memref<4096x64xf32, #tpu.memory_space<vmem>>, vector<4096x64xf32>
    %get3A_42 = arith.constant 0 : index
    %get3A_43 = arith.constant 0 : index
    %get3A_44 = vector.load %arg3[%get3A_42, %get3A_43] : memref<128x256xf32, #tpu.memory_space<vmem>>, vector<128x256xf32>
    %dot_general3A = arith.constant dense<0.000000e+00> : vector<4096x256xf32>
    %dot_general3A_45 = tpu.matmul %select_n3A_35, %get3A_44, %dot_general3A {dimension_numbers = #tpu.dot_dimension_numbers<[1], [0], [0], [1], [0, 0, 1, 1], [], []>, transpose_lhs_hint = false} : vector<4096x128xf32>, vector<128x256xf32>, vector<4096x256xf32> -> vector<4096x256xf32>
    %get3A_46 = arith.constant 0 : index
    %get3A_47 = arith.constant 0 : index
    %get3A_48 = vector.load %arg4[%get3A_46, %get3A_47] : memref<64x256xf32, #tpu.memory_space<vmem>>, vector<64x256xf32>
    %dot_general3A_49 = arith.constant dense<0.000000e+00> : vector<4096x256xf32>
    %dot_general3A_50 = tpu.matmul %get3A_38, %get3A_48, %dot_general3A_49 {dimension_numbers = #tpu.dot_dimension_numbers<[1], [0], [0], [1], [0, 0, 1, 1], [], []>, transpose_lhs_hint = false} : vector<4096x64xf32>, vector<64x256xf32>, vector<4096x256xf32> -> vector<4096x256xf32>
    %add3A = arith.addf %dot_general3A_45, %dot_general3A_50 : vector<4096x256xf32>
    %get3A_51 = arith.constant 0 : index
    %get3A_52 = arith.constant 0 : index
    %get3A_53 = vector.load %arg5[%get3A_51, %get3A_52] : memref<1x256xf32, #tpu.memory_space<vmem>>, vector<1x256xf32>
    %add3A_54 = vector.broadcast %get3A_53 : vector<1x256xf32> to vector<4096x256xf32>
    %add3A_55 = arith.addf %add3A, %add3A_54 : vector<4096x256xf32>
    %slice3A = vector.extract_strided_slice %add3A_55 {offsets = [0, 0], sizes = [4096, 64], strides = [1, 1]} : vector<4096x256xf32> to vector<4096x64xf32>
    %logistic3A = arith.negf %slice3A : vector<4096x64xf32>
    %logistic3A_56 = math.exp %logistic3A : vector<4096x64xf32>
    %logistic3A_57 = arith.constant 1.000000e+00 : f32
    %logistic3A_58 = vector.broadcast %logistic3A_57 : f32 to vector<4096x64xf32>
    %logistic3A_59 = arith.addf %logistic3A_58, %logistic3A_56 : vector<4096x64xf32>
    %logistic3A_60 = arith.divf %logistic3A_58, %logistic3A_59 : vector<4096x64xf32>
    %slice3A_61 = vector.extract_strided_slice %add3A_55 {offsets = [0, 64], sizes = [4096, 64], strides = [1, 1]} : vector<4096x256xf32> to vector<4096x64xf32>
    %logistic3A_62 = arith.negf %slice3A_61 : vector<4096x64xf32>
    %logistic3A_63 = math.exp %logistic3A_62 : vector<4096x64xf32>
    %logistic3A_64 = arith.constant 1.000000e+00 : f32
    %logistic3A_65 = vector.broadcast %logistic3A_64 : f32 to vector<4096x64xf32>
    %logistic3A_66 = arith.addf %logistic3A_65, %logistic3A_63 : vector<4096x64xf32>
    %logistic3A_67 = arith.divf %logistic3A_65, %logistic3A_66 : vector<4096x64xf32>
    %slice3A_68 = vector.extract_strided_slice %add3A_55 {offsets = [0, 128], sizes = [4096, 64], strides = [1, 1]} : vector<4096x256xf32> to vector<4096x64xf32>
    %tanh3A = math.tanh %slice3A_68 : vector<4096x64xf32>
    %slice3A_69 = vector.extract_strided_slice %add3A_55 {offsets = [0, 192], sizes = [4096, 64], strides = [1, 1]} : vector<4096x256xf32> to vector<4096x64xf32>
    %logistic3A_70 = arith.negf %slice3A_69 : vector<4096x64xf32>
    %logistic3A_71 = math.exp %logistic3A_70 : vector<4096x64xf32>
    %logistic3A_72 = arith.constant 1.000000e+00 : f32
    %logistic3A_73 = vector.broadcast %logistic3A_72 : f32 to vector<4096x64xf32>
    %logistic3A_74 = arith.addf %logistic3A_73, %logistic3A_71 : vector<4096x64xf32>
    %logistic3A_75 = arith.divf %logistic3A_73, %logistic3A_74 : vector<4096x64xf32>
    %mul3A = arith.mulf %logistic3A_67, %get3A_41 : vector<4096x64xf32>
    %mul3A_76 = arith.mulf %logistic3A_60, %tanh3A : vector<4096x64xf32>
    %add3A_77 = arith.addf %mul3A, %mul3A_76 : vector<4096x64xf32>
    %tanh3A_78 = math.tanh %add3A_77 : vector<4096x64xf32>
    %mul3A_79 = arith.mulf %logistic3A_75, %tanh3A_78 : vector<4096x64xf32>
    %swap3A = arith.constant 0 : index
    %swap3A_80 = arith.constant 0 : index
    %swap3A_81 = vector.load %arg8[%swap3A, %swap3A_80] : memref<4096x64xf32, #tpu.memory_space<vmem>>, vector<4096x64xf32>
    tpu.vector_store %arg8[%swap3A, %swap3A_80], %mul3A_79 {strides = array<i32>} : memref<4096x64xf32, #tpu.memory_space<vmem>>, vector<4096x64xf32>,
    %swap3A_82 = arith.constant 0 : index
    %swap3A_83 = arith.constant 0 : index
    %swap3A_84 = vector.load %arg9[%swap3A_82, %swap3A_83] : memref<4096x64xf32, #tpu.memory_space<vmem>>, vector<4096x64xf32>
    tpu.vector_store %arg9[%swap3A_82, %swap3A_83], %add3A_77 {strides = array<i32>} : memref<4096x64xf32, #tpu.memory_space<vmem>>, vector<4096x64xf32>,
    %eq3A_85 = arith.constant 24 : i32
    %eq3A_86 = arith.cmpi eq, %arg0, %eq3A_85 : i32
    %convert_element_type3A_87 = arith.extui %eq3A_86 : i1 to i32
    %cond3A_88 = arith.constant 0 : i32
    %cond3A_89 = arith.cmpi ne, %convert_element_type3A_87, %cond3A_88 : i32
    scf.if %cond3A_89 {
      %swap3A_90 = arith.constant 0 : index
      %swap3A_91 = arith.constant 0 : index
      %swap3A_92 = vector.load %arg6[%swap3A_90, %swap3A_91] : memref<4096x64xf32, #tpu.memory_space<vmem>>, vector<4096x64xf32>
      tpu.vector_store %arg6[%swap3A_90, %swap3A_91], %mul3A_79 {strides = array<i32>} : memref<4096x64xf32, #tpu.memory_space<vmem>>, vector<4096x64xf32>,
      %swap3A_93 = arith.constant 0 : index
      %swap3A_94 = arith.constant 0 : index
      %swap3A_95 = vector.load %arg7[%swap3A_93, %swap3A_94] : memref<4096x64xf32, #tpu.memory_space<vmem>>, vector<4096x64xf32>
      tpu.vector_store %arg7[%swap3A_93, %swap3A_94], %add3A_77 {strides = array<i32>} : memref<4096x64xf32, #tpu.memory_space<vmem>>, vector<4096x64xf32>,
    } else {
    }
    return
  }
  func.func @transform_0(%arg0: i32) -> (i32, i32) {
    %c0_i32 = arith.constant 0 : i32
    %c0_i32_0 = arith.constant 0 : i32
    return %arg0, %c0_i32 : i32, i32
  }
  func.func @transform_1(%arg0: i32) -> (i32, i32, i32) {
    %c0_i32 = arith.constant 0 : i32
    %c0_i32_0 = arith.constant 0 : i32
    %c0_i32_1 = arith.constant 0 : i32
    return %arg0, %c0_i32, %c0_i32_0 : i32, i32, i32
  }
  func.func @transform_2(%arg0: i32) -> (i32, i32) {
    %c0_i32 = arith.constant 0 : i32
    %c0_i32_0 = arith.constant 0 : i32
    %c0_i32_1 = arith.constant 0 : i32
    return %c0_i32, %c0_i32_0 : i32, i32
  }
  func.func @transform_3(%arg0: i32) -> (i32, i32) {
    %c0_i32 = arith.constant 0 : i32
    %c0_i32_0 = arith.constant 0 : i32
    %c0_i32_1 = arith.constant 0 : i32
    return %c0_i32, %c0_i32_0 : i32, i32
  }
  func.func @transform_4(%arg0: i32) -> (i32, i32) {
    %c0_i32 = arith.constant 0 : i32
    %c0_i32_0 = arith.constant 0 : i32
    %c0_i32_1 = arith.constant 0 : i32
    return %c0_i32, %c0_i32_0 : i32, i32
  }
  func.func @transform_5(%arg0: i32) -> (i32, i32) {
    %c0_i32 = arith.constant 0 : i32
    %c0_i32_0 = arith.constant 0 : i32
    %c0_i32_1 = arith.constant 0 : i32
    return %c0_i32, %c0_i32_0 : i32, i32
  }
  func.func @transform_6(%arg0: i32) -> (i32, i32) {
    %c0_i32 = arith.constant 0 : i32
    %c0_i32_0 = arith.constant 0 : i32
    %c0_i32_1 = arith.constant 0 : i32
    return %c0_i32, %c0_i32_0 : i32, i32
  }
}

module attributes {stable_mosaic.version = 14 : i64} {
  func.func @_lstm_final_kernel(%arg0: i32, %arg1: memref<4096x128xf32, #tpu.memory_space<vmem>>, %arg2: memref<1x1x4096xi32, #tpu.memory_space<vmem>>, %arg3: memref<128x256xf32, #tpu.memory_space<vmem>>, %arg4: memref<64x256xf32, #tpu.memory_space<vmem>>, %arg5: memref<1x256xf32, #tpu.memory_space<vmem>>, %arg6: memref<4096x64xf32, #tpu.memory_space<vmem>>, %arg7: memref<4096x64xf32, #tpu.memory_space<vmem>>, %arg8: memref<64x1000xf32, #tpu.memory_space<vmem>>, %arg9: memref<1x1000xf32, #tpu.memory_space<vmem>>, %arg10: memref<4096x1000xf32, #tpu.memory_space<vmem>>, %arg11: memref<4096x64xf32, #tpu.memory_space<vmem>>, %arg12: memref<4096x64xf32, #tpu.memory_space<vmem>>) attributes {dimension_semantics = [#tpu.dimension_semantics<arbitrary>], iteration_bounds = array<i64: 25>, scalar_prefetch = 0 : i64, scratch_operands = 2 : i64, tpu.core_type = #tpu.core_type<tc>, window_params = [{transform_indices = @transform_0, window_bounds = array<i64: 4096, 128>}, {transform_indices = @transform_1, window_bounds = array<i64: 1, 1, 4096>}, {pipeline_mode = #tpu.pipeline_mode<synchronous>, transform_indices = @transform_2, window_bounds = array<i64: 128, 256>}, {pipeline_mode = #tpu.pipeline_mode<synchronous>, transform_indices = @transform_3, window_bounds = array<i64: 64, 256>}, {pipeline_mode = #tpu.pipeline_mode<synchronous>, transform_indices = @transform_4, window_bounds = array<i64: 1, 256>}, {pipeline_mode = #tpu.pipeline_mode<synchronous>, transform_indices = @transform_5, window_bounds = array<i64: 4096, 64>}, {pipeline_mode = #tpu.pipeline_mode<synchronous>, transform_indices = @transform_6, window_bounds = array<i64: 4096, 64>}, {pipeline_mode = #tpu.pipeline_mode<synchronous>, transform_indices = @transform_7, window_bounds = array<i64: 64, 1000>}, {pipeline_mode = #tpu.pipeline_mode<synchronous>, transform_indices = @transform_8, window_bounds = array<i64: 1, 1000>}, {pipeline_mode = #tpu.pipeline_mode<synchronous>, transform_indices = @transform_9, window_bounds = array<i64: 4096, 1000>}]} {
    %eq3A = arith.constant 0 : i32
    %eq3A_0 = arith.cmpi eq, %arg0, %eq3A : i32
    %convert_element_type3A = arith.extui %eq3A_0 : i1 to i32
    %cond3A = arith.constant 0 : i32
    %cond3A_1 = arith.cmpi ne, %convert_element_type3A, %cond3A : i32
    scf.if %cond3A_1 {
      %get3A_90 = arith.constant 0 : index
      %get3A_91 = arith.constant 0 : index
      %get3A_92 = vector.load %arg6[%get3A_90, %get3A_91] : memref<4096x64xf32, #tpu.memory_space<vmem>>, vector<4096x64xf32>
      %swap3A_93 = arith.constant 0 : index
      %swap3A_94 = arith.constant 0 : index
      %swap3A_95 = vector.load %arg11[%swap3A_93, %swap3A_94] : memref<4096x64xf32, #tpu.memory_space<vmem>>, vector<4096x64xf32>
      tpu.vector_store %arg11[%swap3A_93, %swap3A_94], %get3A_92 {strides = array<i32>} : memref<4096x64xf32, #tpu.memory_space<vmem>>, vector<4096x64xf32>,
      %get3A_96 = arith.constant 0 : index
      %get3A_97 = arith.constant 0 : index
      %get3A_98 = vector.load %arg7[%get3A_96, %get3A_97] : memref<4096x64xf32, #tpu.memory_space<vmem>>, vector<4096x64xf32>
      %swap3A_99 = arith.constant 0 : index
      %swap3A_100 = arith.constant 0 : index
      %swap3A_101 = vector.load %arg12[%swap3A_99, %swap3A_100] : memref<4096x64xf32, #tpu.memory_space<vmem>>, vector<4096x64xf32>
      tpu.vector_store %arg12[%swap3A_99, %swap3A_100], %get3A_98 {strides = array<i32>} : memref<4096x64xf32, #tpu.memory_space<vmem>>, vector<4096x64xf32>,
    } else {
    }
    %get3A = arith.constant 0 : index
    %get3A_2 = arith.constant 0 : index
    %get3A_3 = arith.constant 0 : index
    %get3A_4 = vector.load %arg2[%get3A, %get3A_2, %get3A_3] : memref<1x1x4096xi32, #tpu.memory_space<vmem>>, vector<1x1x4096xi32>
    %get3A_5 = vector.shape_cast %get3A_4 : vector<1x1x4096xi32> to vector<1x4096xi32>
    %transpose3A = tpu.transpose %get3A_5, [1, 0] : vector<1x4096xi32> -> vector<4096x1xi32>
    %iota3A = tpu.iota {dimensions = array<i32: 1>} : vector<4096x128xi32>
    %jit3A = arith.constant 32 : i32
    %div3A = vector.broadcast %jit3A : i32 to vector<4096x128xi32>
    %div3A_6 = arith.divsi %iota3A, %div3A : vector<4096x128xi32>
    %sign3A = arith.constant 0 : i32
    %sign3A_7 = vector.broadcast %sign3A : i32 to vector<4096x128xi32>
    %sign3A_8 = arith.cmpi sgt, %iota3A, %sign3A_7 : vector<4096x128xi32>
    %sign3A_9 = arith.extui %sign3A_8 : vector<4096x128xi1> to vector<4096x128xi32>
    %sign3A_10 = arith.constant 0 : i32
    %sign3A_11 = vector.broadcast %sign3A_10 : i32 to vector<4096x128xi32>
    %sign3A_12 = arith.cmpi slt, %iota3A, %sign3A_11 : vector<4096x128xi32>
    %sign3A_13 = arith.extui %sign3A_12 : vector<4096x128xi1> to vector<4096x128xi32>
    %sign3A_14 = arith.subi %sign3A_9, %sign3A_13 : vector<4096x128xi32>
    %sign3A_15 = arith.constant 0 : i32
    %sign3A_16 = arith.cmpi sgt, %jit3A, %sign3A_15 : i32
    %sign3A_17 = arith.extui %sign3A_16 : i1 to i32
    %sign3A_18 = arith.constant 0 : i32
    %sign3A_19 = arith.cmpi slt, %jit3A, %sign3A_18 : i32
    %sign3A_20 = arith.extui %sign3A_19 : i1 to i32
    %sign3A_21 = arith.subi %sign3A_17, %sign3A_20 : i32
    %ne3A = vector.broadcast %sign3A_21 : i32 to vector<4096x128xi32>
    %ne3A_22 = arith.cmpi ne, %sign3A_14, %ne3A : vector<4096x128xi32>
    %rem3A = vector.broadcast %jit3A : i32 to vector<4096x128xi32>
    %rem3A_23 = arith.remsi %iota3A, %rem3A : vector<4096x128xi32>
    %ne3A_24 = arith.constant 0 : i32
    %ne3A_25 = vector.broadcast %ne3A_24 : i32 to vector<4096x128xi32>
    %ne3A_26 = arith.cmpi ne, %rem3A_23, %ne3A_25 : vector<4096x128xi32>
    %and3A = arith.andi %ne3A_22, %ne3A_26 : vector<4096x128xi1>
    %sub3A = arith.constant 1 : i32
    %sub3A_27 = vector.broadcast %sub3A : i32 to vector<4096x128xi32>
    %sub3A_28 = arith.subi %div3A_6, %sub3A_27 : vector<4096x128xi32>
    %select_n3A = arith.select %and3A, %sub3A_28, %div3A_6 : vector<4096x128xi1>, vector<4096x128xi32>
    %eq3A_29 = vector.broadcast %transpose3A : vector<4096x1xi32> to vector<4096x128xi32>
    %eq3A_30 = arith.cmpi eq, %select_n3A, %eq3A_29 : vector<4096x128xi32>
    %get3A_31 = arith.constant 0 : index
    %get3A_32 = arith.constant 0 : index
    %get3A_33 = vector.load %arg1[%get3A_31, %get3A_32] : memref<4096x128xf32, #tpu.memory_space<vmem>>, vector<4096x128xf32>
    %jit3A_34 = arith.constant 0.000000e+00 : f32
    %broadcast_in_dim3A = vector.broadcast %jit3A_34 : f32 to vector<4096x128xf32>
    %select_n3A_35 = arith.select %eq3A_30, %get3A_33, %broadcast_in_dim3A : vector<4096x128xi1>, vector<4096x128xf32>
    %get3A_36 = arith.constant 0 : index
    %get3A_37 = arith.constant 0 : index
    %get3A_38 = vector.load %arg11[%get3A_36, %get3A_37] : memref<4096x64xf32, #tpu.memory_space<vmem>>, vector<4096x64xf32>
    %get3A_39 = arith.constant 0 : index
    %get3A_40 = arith.constant 0 : index
    %get3A_41 = vector.load %arg12[%get3A_39, %get3A_40] : memref<4096x64xf32, #tpu.memory_space<vmem>>, vector<4096x64xf32>
    %get3A_42 = arith.constant 0 : index
    %get3A_43 = arith.constant 0 : index
    %get3A_44 = vector.load %arg3[%get3A_42, %get3A_43] : memref<128x256xf32, #tpu.memory_space<vmem>>, vector<128x256xf32>
    %dot_general3A = arith.constant dense<0.000000e+00> : vector<4096x256xf32>
    %dot_general3A_45 = tpu.matmul %select_n3A_35, %get3A_44, %dot_general3A {dimension_numbers = #tpu.dot_dimension_numbers<[1], [0], [0], [1], [0, 0, 1, 1], [], []>, transpose_lhs_hint = false} : vector<4096x128xf32>, vector<128x256xf32>, vector<4096x256xf32> -> vector<4096x256xf32>
    %get3A_46 = arith.constant 0 : index
    %get3A_47 = arith.constant 0 : index
    %get3A_48 = vector.load %arg4[%get3A_46, %get3A_47] : memref<64x256xf32, #tpu.memory_space<vmem>>, vector<64x256xf32>
    %dot_general3A_49 = arith.constant dense<0.000000e+00> : vector<4096x256xf32>
    %dot_general3A_50 = tpu.matmul %get3A_38, %get3A_48, %dot_general3A_49 {dimension_numbers = #tpu.dot_dimension_numbers<[1], [0], [0], [1], [0, 0, 1, 1], [], []>, transpose_lhs_hint = false} : vector<4096x64xf32>, vector<64x256xf32>, vector<4096x256xf32> -> vector<4096x256xf32>
    %add3A = arith.addf %dot_general3A_45, %dot_general3A_50 : vector<4096x256xf32>
    %get3A_51 = arith.constant 0 : index
    %get3A_52 = arith.constant 0 : index
    %get3A_53 = vector.load %arg5[%get3A_51, %get3A_52] : memref<1x256xf32, #tpu.memory_space<vmem>>, vector<1x256xf32>
    %add3A_54 = vector.broadcast %get3A_53 : vector<1x256xf32> to vector<4096x256xf32>
    %add3A_55 = arith.addf %add3A, %add3A_54 : vector<4096x256xf32>
    %slice3A = vector.extract_strided_slice %add3A_55 {offsets = [0, 0], sizes = [4096, 64], strides = [1, 1]} : vector<4096x256xf32> to vector<4096x64xf32>
    %logistic3A = arith.negf %slice3A : vector<4096x64xf32>
    %logistic3A_56 = math.exp %logistic3A : vector<4096x64xf32>
    %logistic3A_57 = arith.constant 1.000000e+00 : f32
    %logistic3A_58 = vector.broadcast %logistic3A_57 : f32 to vector<4096x64xf32>
    %logistic3A_59 = arith.addf %logistic3A_58, %logistic3A_56 : vector<4096x64xf32>
    %logistic3A_60 = arith.divf %logistic3A_58, %logistic3A_59 : vector<4096x64xf32>
    %slice3A_61 = vector.extract_strided_slice %add3A_55 {offsets = [0, 64], sizes = [4096, 64], strides = [1, 1]} : vector<4096x256xf32> to vector<4096x64xf32>
    %logistic3A_62 = arith.negf %slice3A_61 : vector<4096x64xf32>
    %logistic3A_63 = math.exp %logistic3A_62 : vector<4096x64xf32>
    %logistic3A_64 = arith.constant 1.000000e+00 : f32
    %logistic3A_65 = vector.broadcast %logistic3A_64 : f32 to vector<4096x64xf32>
    %logistic3A_66 = arith.addf %logistic3A_65, %logistic3A_63 : vector<4096x64xf32>
    %logistic3A_67 = arith.divf %logistic3A_65, %logistic3A_66 : vector<4096x64xf32>
    %slice3A_68 = vector.extract_strided_slice %add3A_55 {offsets = [0, 128], sizes = [4096, 64], strides = [1, 1]} : vector<4096x256xf32> to vector<4096x64xf32>
    %tanh3A = math.tanh %slice3A_68 : vector<4096x64xf32>
    %slice3A_69 = vector.extract_strided_slice %add3A_55 {offsets = [0, 192], sizes = [4096, 64], strides = [1, 1]} : vector<4096x256xf32> to vector<4096x64xf32>
    %logistic3A_70 = arith.negf %slice3A_69 : vector<4096x64xf32>
    %logistic3A_71 = math.exp %logistic3A_70 : vector<4096x64xf32>
    %logistic3A_72 = arith.constant 1.000000e+00 : f32
    %logistic3A_73 = vector.broadcast %logistic3A_72 : f32 to vector<4096x64xf32>
    %logistic3A_74 = arith.addf %logistic3A_73, %logistic3A_71 : vector<4096x64xf32>
    %logistic3A_75 = arith.divf %logistic3A_73, %logistic3A_74 : vector<4096x64xf32>
    %mul3A = arith.mulf %logistic3A_67, %get3A_41 : vector<4096x64xf32>
    %mul3A_76 = arith.mulf %logistic3A_60, %tanh3A : vector<4096x64xf32>
    %add3A_77 = arith.addf %mul3A, %mul3A_76 : vector<4096x64xf32>
    %tanh3A_78 = math.tanh %add3A_77 : vector<4096x64xf32>
    %mul3A_79 = arith.mulf %logistic3A_75, %tanh3A_78 : vector<4096x64xf32>
    %swap3A = arith.constant 0 : index
    %swap3A_80 = arith.constant 0 : index
    %swap3A_81 = vector.load %arg11[%swap3A, %swap3A_80] : memref<4096x64xf32, #tpu.memory_space<vmem>>, vector<4096x64xf32>
    tpu.vector_store %arg11[%swap3A, %swap3A_80], %mul3A_79 {strides = array<i32>} : memref<4096x64xf32, #tpu.memory_space<vmem>>, vector<4096x64xf32>,
    %swap3A_82 = arith.constant 0 : index
    %swap3A_83 = arith.constant 0 : index
    %swap3A_84 = vector.load %arg12[%swap3A_82, %swap3A_83] : memref<4096x64xf32, #tpu.memory_space<vmem>>, vector<4096x64xf32>
    tpu.vector_store %arg12[%swap3A_82, %swap3A_83], %add3A_77 {strides = array<i32>} : memref<4096x64xf32, #tpu.memory_space<vmem>>, vector<4096x64xf32>,
    %eq3A_85 = arith.constant 24 : i32
    %eq3A_86 = arith.cmpi eq, %arg0, %eq3A_85 : i32
    %convert_element_type3A_87 = arith.extui %eq3A_86 : i1 to i32
    %cond3A_88 = arith.constant 0 : i32
    %cond3A_89 = arith.cmpi ne, %convert_element_type3A_87, %cond3A_88 : i32
    scf.if %cond3A_89 {
      %get3A_90 = arith.constant 0 : index
      %get3A_91 = arith.constant 0 : index
      %get3A_92 = vector.load %arg8[%get3A_90, %get3A_91] : memref<64x1000xf32, #tpu.memory_space<vmem>>, vector<64x1000xf32>
      %dot_general3A_93 = arith.constant dense<0.000000e+00> : vector<4096x1000xf32>
      %dot_general3A_94 = tpu.matmul %mul3A_79, %get3A_92, %dot_general3A_93 {dimension_numbers = #tpu.dot_dimension_numbers<[1], [0], [0], [1], [0, 0, 1, 1], [], []>, transpose_lhs_hint = false} : vector<4096x64xf32>, vector<64x1000xf32>, vector<4096x1000xf32> -> vector<4096x1000xf32>
      %get3A_95 = arith.constant 0 : index
      %get3A_96 = arith.constant 0 : index
      %get3A_97 = vector.load %arg9[%get3A_95, %get3A_96] : memref<1x1000xf32, #tpu.memory_space<vmem>>, vector<1x1000xf32>
      %add3A_98 = vector.broadcast %get3A_97 : vector<1x1000xf32> to vector<4096x1000xf32>
      %add3A_99 = arith.addf %dot_general3A_94, %add3A_98 : vector<4096x1000xf32>
      %swap3A_100 = arith.constant 0 : index
      %swap3A_101 = arith.constant 0 : index
      %swap3A_102 = vector.load %arg10[%swap3A_100, %swap3A_101] : memref<4096x1000xf32, #tpu.memory_space<vmem>>, vector<4096x1000xf32>
      tpu.vector_store %arg10[%swap3A_100, %swap3A_101], %add3A_99 {strides = array<i32>} : memref<4096x1000xf32, #tpu.memory_space<vmem>>, vector<4096x1000xf32>,
    } else {
    }
    return
  }
  func.func @transform_0(%arg0: i32) -> (i32, i32) {
    %c0_i32 = arith.constant 0 : i32
    %c0_i32_0 = arith.constant 0 : i32
    return %arg0, %c0_i32 : i32, i32
  }
  func.func @transform_1(%arg0: i32) -> (i32, i32, i32) {
    %c0_i32 = arith.constant 0 : i32
    %c0_i32_0 = arith.constant 0 : i32
    %c0_i32_1 = arith.constant 0 : i32
    return %arg0, %c0_i32, %c0_i32_0 : i32, i32, i32
  }
  func.func @transform_2(%arg0: i32) -> (i32, i32) {
    %c0_i32 = arith.constant 0 : i32
    %c0_i32_0 = arith.constant 0 : i32
    %c0_i32_1 = arith.constant 0 : i32
    return %c0_i32, %c0_i32_0 : i32, i32
  }
  func.func @transform_3(%arg0: i32) -> (i32, i32) {
    %c0_i32 = arith.constant 0 : i32
    %c0_i32_0 = arith.constant 0 : i32
    %c0_i32_1 = arith.constant 0 : i32
    return %c0_i32, %c0_i32_0 : i32, i32
  }
  func.func @transform_4(%arg0: i32) -> (i32, i32) {
    %c0_i32 = arith.constant 0 : i32
    %c0_i32_0 = arith.constant 0 : i32
    %c0_i32_1 = arith.constant 0 : i32
    return %c0_i32, %c0_i32_0 : i32, i32
  }
  func.func @transform_5(%arg0: i32) -> (i32, i32) {
    %c0_i32 = arith.constant 0 : i32
    %c0_i32_0 = arith.constant 0 : i32
    %c0_i32_1 = arith.constant 0 : i32
    return %c0_i32, %c0_i32_0 : i32, i32
  }
  func.func @transform_6(%arg0: i32) -> (i32, i32) {
    %c0_i32 = arith.constant 0 : i32
    %c0_i32_0 = arith.constant 0 : i32
    %c0_i32_1 = arith.constant 0 : i32
    return %c0_i32, %c0_i32_0 : i32, i32
  }
  func.func @transform_7(%arg0: i32) -> (i32, i32) {
    %c0_i32 = arith.constant 0 : i32
    %c0_i32_0 = arith.constant 0 : i32
    %c0_i32_1 = arith.constant 0 : i32
    return %c0_i32, %c0_i32_0 : i32, i32
  }
  func.func @transform_8(%arg0: i32) -> (i32, i32) {
    %c0_i32 = arith.constant 0 : i32
    %c0_i32_0 = arith.constant 0 : i32
    %c0_i32_1 = arith.constant 0 : i32
    return %c0_i32, %c0_i32_0 : i32, i32
  }
  func.func @transform_9(%arg0: i32) -> (i32, i32) {
    %c0_i32 = arith.constant 0 : i32
    %c0_i32_0 = arith.constant 0 : i32
    %c0_i32_1 = arith.constant 0 : i32
    return %c0_i32, %c0_i32_0 : i32, i32
  }
}

</mosaic_0001>

<sc_bundles>
// kernel: kernel.10.cloned.1.call-start
scs
__scs_entry_jumppad:
0x0: {  	(pc) =	sbr.rel $0x88, $3  }
0x1: {  	(tag) =	ssettag $0x0;
	lr =	simm.s32 $0x1  }
0x2: {  	[smem:$0x3F99] =	sst lr;
	_ =	strace $0xD0000000  }
0x3: {  	_ = 	snop  }
0x4: {  	_ = 	snop  }
0x5: {  	_ = 	snop  }
0x6: {  	_ = 	snop  }
0x7: {  	_ = 	snop  }
__scs_overlays_trampoline_lowered:
0x8: {  	[smem:$0x3FA8] =	sst s0  }
0x9: {  	[smem:$0x3FA9] =	sst s1  }
0xa: {  	[smem:$0x3FAA] =	sst s2  }
0xb: {  	[smem:$0x3FAB] =	sst s3  }
0xc: {  	[smem:$0x3FAC] =	sst s4  }
0xd: {  	[smem:$0x3FAD] =	sst s5  }
0xe: {  	[smem:$0x3FAE] =	sst s6  }
0xf: {  	[smem:$0x3FAF] =	sst s7  }
0x10: {  	[smem:$0x3FB0] =	sst s8  }
0x11: {  	[smem:$0x3FB1] =	sst s9;
	s0 =	simm.s32 @!p0 $0x0  }
0x12: {  	s1 =	sld [smem:$0x3F97];
	s0 =	simm.s32 @p0 $0x1  }
0x13: {  	[smem:$0x3FB2] =	sst s0;
	s0 =	simm.s32 @!p1 $0x0  }
0x14: {  	s2 =	sld [smem:$0x3F96];
	s0 =	simm.s32 @p1 $0x1  }
0x15: {  	[smem:$0x3FB3] =	sst s0;
	s0 =	simm.s32 @!p2 $0x0  }
0x16: {  	s3 =	sld [smem:$0x3FDB];
	s0 =	simm.s32 @p2 $0x1  }
0x17: {  	s4 =	simm.s32 $0x1BF5;
	[smem:$0x3FB5] =	sst s0  }
0x18: {  	s0 =	sld [smem:$0x3F98];
	_ =	swait.ge [sflag:s4], $0x0  }
0x19: {  	s7 =	sld [smem:$0x3F99]  }
0x1a: {  	s8 =	sadd.s32 $0xFFFFE003, lr  }
0x1b: {  	s9 =	sadd.s32 $0xFFFFFEF7, lr;
	s5 =	simm.s32 $0xFFFFFFFF;
	p2 =	slt.u32 s8, $0xFFFFF086  }
0x1c: {  	p1 =	slt.u32 s9, $0xF7A;
	s5 =	simm.s32 @!p2 $0x0  }
0x1d: {  	s5 =	simm.s32 @p1 $0x1;
	p0 =	seq.s32 s7, s2  }
0x1e: {  	s7 =	smul.u32 @!p0 $0xF7A, s2;
	p2 =	seq.s32 @!p0 s5, $0x0  }
0x1f: {  	s9 =	smul.u32 $0xF7A, s1;
	s8 =	simm.s32 @!p0 $0x1BF5;
	p2 =	por !p2, p0  }
0x20: {  	[sflag:s8] =	ssyncset.s32 @!p0 $0xFFFFF086;
	s6 =	sadd.s32 @!p0 s3, s7;
	s7 =	simm.s32 @!p0 $0x108  }
0x21: {  	s3 =	sadd.s32 s3, s9;
	s6 =	sadd.s32 @!p0 $0x88, s6;
	s7 =	simm.s32 @p2 $0x1082  }
0x22: {  	[simem:s7], [sflag:s8] =	dma.local @!p0 [hbm:s6], $0xF7A  }
0x23: {  	s9 =	sor.u32 $0xD0000000, s2;
	s6 =	simm.s32 $0x108;
	_ =	swait.ge @!p0 [sflag:s8], $0x0  }
0x24: {  	s3 =	sadd.s32 $0x88, s3;
	s6 =	simm.s32 @!p1 $0x1082;
	[sflag:s4] =	ssyncset.s32 $0xFFFFF086  }
0x25: {  	[simem:s6], [sflag:s4] =	dma.local [hbm:s3], $0xF7A  }
0x26: {  	[smem:$0x3F99] =	sst s1;
	(tag) =	ssettag s2;
	_ =	strace s9  }
0x27: {  	s1 =	sld [smem:$0x3FA9]  }
0x28: {  	s2 =	sld [smem:$0x3FAA]  }
0x29: {  	s4 =	sld [smem:$0x3FAC]  }
0x2a: {  	p0 =	seq.s32 s5, $0x0;
	s5 =	sld [smem:$0x3FAD]  }
0x2b: {  	s6 =	sld [smem:$0x3FAE]  }
0x2c: {  	s7 =	sld [smem:$0x3FAF]  }
0x2d: {  	s3 =	simm.s32 $0x108;
	s8 =	sld [smem:$0x3FB0]  }
0x2e: {  	s3 =	simm.s32 @!p0 $0x1082;
	s9 =	sld [smem:$0x3FB1]  }
0x2f: {  	lr =	sadd.s32 s0, s3;
	s0 =	sld [smem:$0x3FA8]  }
0x30: {  	s3 =	sld [smem:$0x3FAB]  }
0x31: {  	[smem:$0x3FB4] =	sst s10  }
0x32: {  	s10 =	sld [smem:$0x3FB2];
	_ =	sdelay $0x3  }
0x33: {  	p0 =	seq.s32 s10, $0x1;
	s10 =	sld [smem:$0x3FB4];
	_ =	sdelay $0x3  }
0x34: {  	[smem:$0x3FB4] =	sst s10  }
0x35: {  	s10 =	sld [smem:$0x3FB3];
	_ =	sdelay $0x3  }
0x36: {  	p1 =	seq.s32 s10, $0x1;
	s10 =	sld [smem:$0x3FB4];
	_ =	sdelay $0x3  }
0x37: {  	[smem:$0x3FB4] =	sst s10  }
0x38: {  	s10 =	sld [smem:$0x3FB5]  }
0x39: {  	_ = 	snop;
	(pc) =	sbr.ind lr, $3  }
0x3a: {  	_ = 	snop  }
0x3b: {  	_ = 	snop  }
0x3c: {  	p2 =	seq.s32 s10, $0x1;
	s10 =	sld [smem:$0x3FB4]  }
0x3d: {  	_ =	shalt  }
0x3e: {  	_ =	shalt  }
0x3f: {  	_ =	shalt  }
0x40: {  	_ =	shalt  }
0x41: {  	_ =	shalt  }
0x42: {  	_ =	shalt  }
0x43: {  	_ =	shalt  }
0x44: {  	_ =	shalt  }
0x45: {  	_ =	shalt  }
0x46: {  	_ =	shalt  }
0x47: {  	_ =	shalt  }
0x48: {  	_ =	shalt  }
0x49: {  	_ =	shalt  }
0x4a: {  	_ =	shalt  }
0x4b: {  	_ =	shalt  }
0x4c: {  	_ =	shalt  }
0x4d: {  	_ =	shalt  }
0x4e: {  	_ =	shalt  }
0x4f: {  	_ =	shalt  }
0x50: {  	_ =	shalt  }
0x51: {  	_ =	shalt  }
0x52: {  	_ =	shalt  }
0x53: {  	_ =	shalt  }
0x54: {  	_ =	shalt  }
0x55: {  	_ =	shalt  }
0x56: {  	_ =	shalt  }
0x57: {  	_ =	shalt  }
0x58: {  	_ =	shalt  }
0x59: {  	_ =	shalt  }
0x5a: {  	_ =	shalt  }
0x5b: {  	_ =	shalt  }
0x5c: {  	_ =	shalt  }
0x5d: {  	_ =	shalt  }
0x5e: {  	_ =	shalt  }
0x5f: {  	_ =	shalt  }
0x60: {  	_ =	shalt  }
0x61: {  	_ =	shalt  }
0x62: {  	_ =	shalt  }
0x63: {  	_ =	shalt  }
0x64: {  	_ =	shalt  }
0x65: {  	_ =	shalt  }
0x66: {  	_ =	shalt  }
0x67: {  	_ =	shalt  }
0x68: {  	_ =	shalt  }
0x69: {  	_ =	shalt  }
0x6a: {  	_ =	shalt  }
0x6b: {  	_ =	shalt  }
0x6c: {  	_ =	shalt  }
0x6d: {  	_ =	shalt  }
0x6e: {  	_ =	shalt  }
0x6f: {  	_ =	shalt  }
0x70: {  	_ =	shalt  }
0x71: {  	_ =	shalt  }
0x72: {  	_ =	shalt  }
0x73: {  	_ =	shalt  }
0x74: {  	_ =	shalt  }
0x75: {  	_ =	shalt  }
0x76: {  	_ =	shalt  }
0x77: {  	_ =	shalt  }
0x78: {  	_ =	shalt  }
0x79: {  	_ =	shalt  }
0x7a: {  	_ =	shalt  }
0x7b: {  	_ =	shalt  }
0x7c: {  	_ =	shalt  }
0x7d: {  	_ =	shalt  }
0x7e: {  	_ =	shalt  }
0x7f: {  	_ =	shalt  }
0x80: {  	_ =	shalt  }
0x81: {  	_ =	shalt  }
0x82: {  	_ =	shalt  }
0x83: {  	_ =	shalt  }
0x84: {  	_ =	shalt  }
0x85: {  	_ =	shalt  }
0x86: {  	_ =	shalt  }
0x87: {  	_ =	shalt  }
.Lfunc_end0:
.L_simem_size_0:
called_computation.1_lowered:
.L_overlay_start_0:
0x88: {  	s2 =	sld [smem:$0x3FD9]  }
0x89: {  	s3 =	sld [smem:$0x3FFE];
	_ =	sdelay $0x1  }
0x8a: {  	s1 =	srdreg.scid  }
0x8b: {  	s0 =	sand.u32 $0x1, s1  }
0x8c: {  	s17 =	sshll.u32 s0, $0xA;
	s2 =	sadd.s32 s3, s2  }
0x8d: {  	s2 =	sadd.s32 s2, s17  }
0x8e: {  	[smem:$0x3FC0] =	sst s2  }
0x8f: {  	_ = 	snop  }
0x90: {  	(tm) =	ssettm $0x1  }
0x91: {  	s18 =	sld [smem:$0x3FFB];
	_ =	sdelay $0x3  }
0x92: {  	_ =	strace s18  }
0x93: {  	s2 =	sld [smem:$0x3FFC];
	_ =	sdelay $0x3  }
0x94: {  	_ =	strace s2  }
0x95: {  	s2 =	sld [smem:$0x3FFD];
	_ =	sdelay $0x3  }
0x96: {  	_ =	strace s2  }
0x97: {  	_ =	strace $0x8FFFFFFF  }
0x98: {  	s19 =	sld [smem:$0x3FDB];
	_ =	sdelay $0x1  }
0x99: {  	s20 =	simm.s32 $_scs_section_size  }
0x9a: {  	s4 =	simm.s32 $_size__tile_overlayer_lowered;
	s5 =	simm.s32 $_tile_overlayer_lowered  }
0x9b: {  	s6 =	simm.s32 $0x1BFF;
	s21 =	sshll.u32 s5, $0x1;
	s3 =	sadd.s32 s20, s19  }
0x9c: {  	s22 =	simm.s32 $0x0;
	s4 =	sshll.u32 s4, $0x1;
	s5 =	sadd.s32 s21, s3  }
0x9d: {  	[timem:s22], [sflag:s6] =	dma.local [hbm:s5], s4  }
0x9e: {  	_ =	swait.ge [sflag:s6], s4  }
0x9f: {  	s4 =	ssub.s32 $0x0, s4;
	[sflag:s6] =	ssyncset.done $0x0  }
0xa0: {  	[sflag:s6] =	ssyncadd.s32 s4;
	_ =	sdelay $0x1  }
0xa1: {  	s23 =	simm.s32 $0x1B8B  }
0xa2: {  	_ =	swait.ge [sflag:s23], $0x1  }
0xa3: {  	[sflag:s23] =	ssyncset.done $0x0  }
0xa4: {  	[sflag:s23] =	ssyncadd.s32 $0xFFFFFFFF  }
0xa5: {  	s4 =	sld [smem:$0x0]  }
0xa6: {  	s5 =	sand.u32 $0xFFFFFFFE, s1  }
0xa7: {  	p0 =	sne.s32 s1, s5  }
0xa8: {  	s5 =	sshll.u32 @p0 s5, $0xE  }
0xa9: {  	s5 =	sadd.s32 @p0 $0x11B8D, s5;
	s6 =	sshll.u32 @p0 s4, $0x11  }
0xaa: {  	s5 =	sor.u32 @p0 s6, s5  }
0xab: {  	[sflag:s5] =	ssyncadd.remote.s32 @p0 $0x1;
	_ =	sdelay $0x1  }
0xac: {  	s5 =	simm.s32 @p0 $0x1B8D  }
0xad: {  	_ =	swait.eq @p0 [sflag:s5], $0x1  }
0xae: {  	[sflag:s5] =	ssyncadd.s32 @p0 $0xFFFFFFFF  }
0xaf: {  	s6 =	sshll.u32 @!p0 s1, $0xE  }
0xb0: {  	s6 =	sor.u32 @!p0 $0x4000, s6;
	s5 =	simm.s32 @!p0 $0x1B8D  }
0xb1: {  	s4 =	sshll.u32 @!p0 s4, $0x11;
	s6 =	sadd.s32 @!p0 $0x11B8D, s6;
	_ =	swait.eq @!p0 [sflag:s5], $0x1  }
0xb2: {  	s4 =	sor.u32 @!p0 s4, s6;
	[sflag:s5] =	ssyncadd.s32 @!p0 $0xFFFFFFFF  }
0xb3: {  	s25 =	simm.s32 $0x1B8E;
	s24 =	sld [smem:$0x3FFE];
	[sflag:s4] =	ssyncadd.remote.s32 @!p0 $0x1  }
0xb4: {  	s26 =	simm.s32 $execute0_lowered;
	[smem:$0x3FD2] =	sst s25  }
0xb5: {  	s5 =	sshll.u32 s26, $0x1;
	_ =	strace $0x80000049;
	[dreg:$0x1] =	wrdreg $0xFFFFFFFF  }
0xb6: {  	s28 =	simm.s32 $_size_execute0_lowered;
	s3 =	sadd.s32 s3, s5;
	[dreg:$0x0] =	wrdreg $0x0  }
0xb7: {  	s5 =	sshll.u32 s28, $0x1;
	[dreg:$0x2] =	wrdreg s3  }
0xb8: {  	[dreg:$0x3] =	wrdreg s5  }
0xb9: {  	[dreg:$0x4] =	wrdreg $0xC0  }
0xba: {  	_ =	task [dreg:s22], $0x5FFFF  }
0xbb: {  	[dreg:$0x1] =	wrdreg $0xFFFFFFFF  }
0xbc: {  	[dreg:$0x0] =	wrdreg $0x60  }
0xbd: {  	[dreg:$0x2] =	wrdreg s24  }
0xbe: {  	[dreg:$0x3] =	wrdreg $0xA  }
0xbf: {  	_ =	task.clear_ibuf [dreg:s22], $0x4FFFF;
	_ =	strace $0x90000049  }
0xc0: {  	s29 =	simm.s32 $0xA;
	_ =	strace $0x8000004B  }
0xc1: {  	_ =	swait.ge [sflag:s29], $0x1  }
0xc2: {  	[sflag:s29] =	ssyncadd.s32 $0xFFFFFFFF  }
0xc3: {  	_ =	strace $0x9000004B  }
0xc4: {  	_ =	sfence  }
0xc5: {  	s30 =	sld [smem:$0x0];
	_ =	sdelay $0x2  }
0xc6: {  	s31 =	sshll.u32 s1, $0xD;
	s1 =	sshrl.u32 s1, $0x2  }
0xc7: {  	s4 =	sand.u32 $0x4000, s31;
	s1 =	sadd.s32 s1, s30  }
0xc8: {  	s0 =	sor.u32 s4, s0;
	s1 =	sshll.u32 s1, $0x11  }
0xc9: {  	s0 =	sor.u32 s1, s0  }
0xca: {  	s0 =	sadd.s32 $0x8F2B, s0  }
0xcb: {  	[sflag:s0] =	ssyncadd.remote.s32 $0x1  }
0xcc: {  	_ =	sfence.sel $0xFFFF  }
0xcd: {  	[dreg:$0x0] =	wrdreg $0xFFFFFFFF;
	(pc) =	sbr.abs _section_cstart, $3  }
0xce: {  	[dreg:$0x1] =	wrdreg $0xFFFFFFFF  }
0xcf: {  	_ =	task.clear_ibuf [dreg:s22], $0x2FFFF;
	_ =	strace $0x9FFFFFFF  }
0xd0: {  	(tm) =	ssettm $0x7FFFFFFF  }
0xd1: {  	_ =	shalt  }
tec
execute0_lowered:
.L_overlay_start_1:
0x0: {  	(tag) =	ssettag $0x1  }
0x1: {  	s1 =	srdreg.scid;
	s0 =	stileid.u32  }
0x2: {  	s4 =	rddreg [dreg:$0x0];
	s2 =	simm.s32 $0x0;
	s11 =	simm.s32 $0x80  }
0x3: {  	s12 =	simm.s32 $0x5000;
	s13 =	simm.s32 $0x1;
	s14 =	simm.s32 $0x2  }
0x4: {  	s15 =	simm.s32 $0x0;
	s5 =	sand.u32 $0x1, s1;
	s1 =	rddreg [dreg:$0x1]  }
0x5: {  	s3 =	sshll.u32 s0, $0x1;
	[smem:$0x7FF] =	sst s2;
	s8 =	smul.u32 $0xC8000, s0  }
0x6: {  	s10 =	sadd.s32 $0x57E000, s4;
	s3 =	sor.u32 s5, s3;
	_ =	strace $0x8000004A  }
0x7: {  	s9 =	ssub.s32 $0x2, s5;
	s5 =	smul.u32 $0x64000, s5;
	s6 =	sshll.u32 s3, $0x9  }
0x8: {  	s7 =	smul.u32 $0x64000, s3;
	s3 =	sadd.s32 $0xE000, s4;
	s29 =	sshrl.u32 s9, $0x1  }
0x9: {  	s6 =	sadd.s32 s6, s4;
	s9 =	ssub.s32 s9, s29;
	s8 =	sadd.s32 s5, s8  }
0xa: {  	s7 =	sshrl.u32 s7, $0x3;
	s4 =	sadd.s32 $0x2000, s6;
	s30 =	sadd.s32 $0x4000, s8  }
0xb: {  	s6 =	smax.u32 s9, $0x1;
	s8 =	sshrl.u32 s8, $0x3;
	s7 =	sadd.s32 s10, s7  }
0xc: {  	s9 =	simm.s32 $0x3;
	s31 =	sshrl.u32 s30, $0x3;
	s5 =	sadd.s32 $0xC000, s7  }
0xd: {  	s7 =	sadd.s32 s8, s10;
	s8 =	sadd.s32 s31, s10;
	s10 =	simm.s32 $0x1000  }
.LBB2_1:
0xe: {  	[tilespmem:s2], [sflag:$0x3] =	stream.linear.gather [hbm4b:s4+s2], $0xC80, $0x38;
	[tilespmem:$0x9000] =	vst v63  }
0xf: {  	_ =	swait.ge [sflag:s9], $0xC80  }
0x10: {  	[sflag:s9] =	ssyncset.done $0x0  }
0x11: {  	[sflag:s9] =	ssyncadd.s32 $0xFFFFF380  }
0x12: {  	[tilespmem:s10], [sflag:$0x1] =	stream.indirect.gather [hbm4b:s3+s11], $0x80, s2, s11, $0xb8;
	[tilespmem:$0x9000] =	vst v63  }
0x13: {  	_ = 	snop  }
0x14: {  	[tilespmem:s12], [sflag:$0x2] =	stream.indirect.gather [hbm4b:s3+s11], $0x80, s11, s11, $0xb8;
	[tilespmem:$0x9000] =	vst v63  }
0x15: {  	_ =	swait.ge [sflag:s13], $0x4000  }
0x16: {  	[sflag:s13] =	ssyncset.done $0x0  }
0x17: {  	s16 =	sadd.s32 $0x0, s7;
	[sflag:s13] =	ssyncadd.s32 $0xFFFFC000  }
0x18: {  	[hbm4b:s16+s2] =	stream.linear.scatter [tilespmem:s10], [sflag:$0x3], $0x4000, $0x38;
	[tilespmem:$0x9000] =	vst v63  }
0x19: {  	_ =	swait.ge [sflag:s9], $0x4000  }
0x1a: {  	[sflag:s9] =	ssyncset.done $0x0  }
0x1b: {  	s30 =	simm.s32 $0x100;
	[sflag:s9] =	ssyncadd.s32 $0xFFFFC000  }
0x1c: {  	[tilespmem:s10], [sflag:$0x1] =	stream.indirect.gather [hbm4b:s3+s11], $0x80, s30, s11, $0xb8;
	[tilespmem:$0x9000] =	vst v63  }
0x1d: {  	_ =	swait.ge [sflag:s14], $0x4000  }
0x1e: {  	[sflag:s14] =	ssyncset.done $0x0  }
0x1f: {  	s31 =	sadd.s32 $0x0, s8;
	[sflag:s14] =	ssyncadd.s32 $0xFFFFC000  }
0x20: {  	[hbm4b:s31+s2] =	stream.linear.scatter [tilespmem:s12], [sflag:$0x3], $0x4000, $0x38;
	[tilespmem:$0x9000] =	vst v63  }
0x21: {  	_ =	swait.ge [sflag:s9], $0x4000  }
0x22: {  	s17 =	simm.s32 $0x80;
	s16 =	simm.s32 $0x1000;
	[sflag:s9] =	ssyncset.done $0x0  }
.LBB2_2:
0x23: {  	p0 =	sne.s32 s16, $0xB000;
	[sflag:s9] =	ssyncadd.s32 $0xFFFFC000;
	s17 =	sadd.s32 $0x100, s17  }
0x24: {  	[tilespmem:s12], [sflag:$0x2] =	stream.indirect.gather [hbm4b:s3+s11], $0x80, s17, s11, $0xb8;
	[tilespmem:$0x9000] =	vst v63  }
0x25: {  	s18 =	smov.u32 s16;
	s16 =	sadd.s32 $0x1000, s16;
	_ =	swait.ge [sflag:s13], $0x4000  }
0x26: {  	[sflag:s13] =	ssyncset.done $0x0  }
0x27: {  	s19 =	sadd.s32 s18, s7;
	[sflag:s13] =	ssyncadd.s32 $0xFFFFC000  }
0x28: {  	[hbm4b:s19+s2] =	stream.linear.scatter [tilespmem:s10], [sflag:$0x3], $0x4000, $0x38;
	[tilespmem:$0x9000] =	vst v63  }
0x29: {  	_ =	swait.ge [sflag:s9], $0x4000  }
0x2a: {  	[sflag:s9] =	ssyncset.done $0x0  }
0x2b: {  	s19 =	sadd.s32 $0x80, s17;
	[sflag:s9] =	ssyncadd.s32 $0xFFFFC000  }
0x2c: {  	[tilespmem:s10], [sflag:$0x1] =	stream.indirect.gather [hbm4b:s3+s11], $0x80, s19, s11, $0xb8;
	[tilespmem:$0x9000] =	vst v63  }
0x2d: {  	_ =	swait.ge [sflag:s14], $0x4000  }
.Ltmp0:
0x2e: {  	[sflag:s14] =	ssyncset.done $0x0;
	(pc) =	sbr.rel @p0 .LBB2_2-.Ltmp0, $4  }
0x2f: {  	s18 =	sadd.s32 s18, s8;
	[sflag:s14] =	ssyncadd.s32 $0xFFFFC000  }
0x30: {  	[hbm4b:s18+s2] =	stream.linear.scatter [tilespmem:s12], [sflag:$0x3], $0x4000, $0x38;
	[tilespmem:$0x9000] =	vst v63  }
0x31: {  	_ =	swait.ge [sflag:s9], $0x4000  }
0x32: {  	[sflag:s9] =	ssyncset.done $0x0  }
0x33: {  	[sflag:s9] =	ssyncadd.s32 $0xFFFFC000  }
0x34: {  	s15 =	sadd.s32 $0x1, s15;
	_ =	swait.ge [sflag:s13], $0x4000  }
0x35: {  	p0 =	sne.s32 s15, s6;
	[sflag:s13] =	ssyncset.done $0x0  }
.Ltmp1:
0x36: {  	[sflag:s13] =	ssyncadd.s32 $0xFFFFC000;
	(pc) =	sbr.rel @p0 .LBB2_1-.Ltmp1, $4  }
0x37: {  	[hbm4b:s5+s2] =	stream.linear.scatter [tilespmem:s10], [sflag:$0x3], $0x4000, $0x38;
	[tilespmem:$0x9000] =	vst v63  }
0x38: {  	_ =	swait.ge [sflag:s9], $0x4000  }
0x39: {  	[sflag:s9] =	ssyncset.done $0x0  }
0x3a: {  	[sflag:s9] =	ssyncadd.s32 $0xFFFFC000  }
0x3b: {  	_ =	sfence.sel $0x180000  }
0x3c: {  	[bflag:$0x0] =	sbarrier.arrive $0xFFFF  }
0x3d: {  	p0 =	sne.s32 s0, $0x0;
	_ =	strace $0x9000004A  }
0x3e: {  	s0 =	sadd.s32 @!p0 $0x100000, s1;
	[bflag:$0x2] =	sbarrier.arrive $0xFFFF  }
0x3f: {  	[sflag:s0] =	ssyncadd.tile.s32 @!p0 $0x1;
	_ =	shalt  }
.Lfunc_end2:
_tile_overlayer_lowered:
.L_overlay_start_2:
0x40: {  	(tag) =	ssettag $0x2  }
0x41: {  	s0 =	rddreg [dreg:$0x0];
	s2 =	stileid.u32  }
0x42: {  	s1 =	rddreg [dreg:$0x1];
	p0 =	sne.s32 s2, $0x0  }
0x43: {  	s3 =	rddreg [dreg:$0x2];
	[bflag:$0x3] =	sbarrier.arrive $0xFFFF;
	s2 =	simm.s32 @!p0 $0x1C03  }
0x44: {  	[timem:s3], [sflag:s2] =	dma.local @!p0 [hbm:s0], s1  }
0x45: {  	s0 =	simm.s32 @!p0 $0x3  }
0x46: {  	_ =	swait.ge @!p0 [sflag:s0], s1  }
0x47: {  	s1 =	ssub.s32 @!p0 $0x0, s1;
	[sflag:s0] =	ssyncset.done @!p0 $0x0  }
0x48: {  	[sflag:s0] =	ssyncadd.s32 @!p0 s1  }
0x49: {  	[bflag:$0x3] =	sbarrier.arrive $0xFFFF  }
0x4a: {  	_ =	shalt  }

// kernel: kernel.7.cloned.1.call-start
scs
__scs_entry_jumppad:
0x0: {  	(pc) =	sbr.rel $0x88, $3  }
0x1: {  	(tag) =	ssettag $0x0;
	lr =	simm.s32 $0x1  }
0x2: {  	[smem:$0x3F99] =	sst lr;
	_ =	strace $0xD0000000  }
0x3: {  	_ = 	snop  }
0x4: {  	_ = 	snop  }
0x5: {  	_ = 	snop  }
0x6: {  	_ = 	snop  }
0x7: {  	_ = 	snop  }
__scs_overlays_trampoline_lowered:
0x8: {  	[smem:$0x3FA8] =	sst s0  }
0x9: {  	[smem:$0x3FA9] =	sst s1  }
0xa: {  	[smem:$0x3FAA] =	sst s2  }
0xb: {  	[smem:$0x3FAB] =	sst s3  }
0xc: {  	[smem:$0x3FAC] =	sst s4  }
0xd: {  	[smem:$0x3FAD] =	sst s5  }
0xe: {  	[smem:$0x3FAE] =	sst s6  }
0xf: {  	[smem:$0x3FAF] =	sst s7  }
0x10: {  	[smem:$0x3FB0] =	sst s8  }
0x11: {  	[smem:$0x3FB1] =	sst s9;
	s0 =	simm.s32 @!p0 $0x0  }
0x12: {  	s1 =	sld [smem:$0x3F97];
	s0 =	simm.s32 @p0 $0x1  }
0x13: {  	[smem:$0x3FB2] =	sst s0;
	s0 =	simm.s32 @!p1 $0x0  }
0x14: {  	s2 =	sld [smem:$0x3F96];
	s0 =	simm.s32 @p1 $0x1  }
0x15: {  	[smem:$0x3FB3] =	sst s0;
	s0 =	simm.s32 @!p2 $0x0  }
0x16: {  	s3 =	sld [smem:$0x3FDB];
	s0 =	simm.s32 @p2 $0x1  }
0x17: {  	s4 =	simm.s32 $0x1BF5;
	[smem:$0x3FB5] =	sst s0  }
0x18: {  	s0 =	sld [smem:$0x3F98];
	_ =	swait.ge [sflag:s4], $0x0  }
0x19: {  	s7 =	sld [smem:$0x3F99]  }
0x1a: {  	s8 =	sadd.s32 $0xFFFFE003, lr  }
0x1b: {  	s9 =	sadd.s32 $0xFFFFFEF7, lr;
	s5 =	simm.s32 $0xFFFFFFFF;
	p2 =	slt.u32 s8, $0xFFFFF086  }
0x1c: {  	p1 =	slt.u32 s9, $0xF7A;
	s5 =	simm.s32 @!p2 $0x0  }
0x1d: {  	s5 =	simm.s32 @p1 $0x1;
	p0 =	seq.s32 s7, s2  }
0x1e: {  	s7 =	smul.u32 @!p0 $0xF7A, s2;
	p2 =	seq.s32 @!p0 s5, $0x0  }
0x1f: {  	s9 =	smul.u32 $0xF7A, s1;
	s8 =	simm.s32 @!p0 $0x1BF5;
	p2 =	por !p2, p0  }
0x20: {  	[sflag:s8] =	ssyncset.s32 @!p0 $0xFFFFF086;
	s6 =	sadd.s32 @!p0 s3, s7;
	s7 =	simm.s32 @!p0 $0x108  }
0x21: {  	s3 =	sadd.s32 s3, s9;
	s6 =	sadd.s32 @!p0 $0x88, s6;
	s7 =	simm.s32 @p2 $0x1082  }
0x22: {  	[simem:s7], [sflag:s8] =	dma.local @!p0 [hbm:s6], $0xF7A  }
0x23: {  	s9 =	sor.u32 $0xD0000000, s2;
	s6 =	simm.s32 $0x108;
	_ =	swait.ge @!p0 [sflag:s8], $0x0  }
0x24: {  	s3 =	sadd.s32 $0x88, s3;
	s6 =	simm.s32 @!p1 $0x1082;
	[sflag:s4] =	ssyncset.s32 $0xFFFFF086  }
0x25: {  	[simem:s6], [sflag:s4] =	dma.local [hbm:s3], $0xF7A  }
0x26: {  	[smem:$0x3F99] =	sst s1;
	(tag) =	ssettag s2;
	_ =	strace s9  }
0x27: {  	s1 =	sld [smem:$0x3FA9]  }
0x28: {  	s2 =	sld [smem:$0x3FAA]  }
0x29: {  	s4 =	sld [smem:$0x3FAC]  }
0x2a: {  	p0 =	seq.s32 s5, $0x0;
	s5 =	sld [smem:$0x3FAD]  }
0x2b: {  	s6 =	sld [smem:$0x3FAE]  }
0x2c: {  	s7 =	sld [smem:$0x3FAF]  }
0x2d: {  	s3 =	simm.s32 $0x108;
	s8 =	sld [smem:$0x3FB0]  }
0x2e: {  	s3 =	simm.s32 @!p0 $0x1082;
	s9 =	sld [smem:$0x3FB1]  }
0x2f: {  	lr =	sadd.s32 s0, s3;
	s0 =	sld [smem:$0x3FA8]  }
0x30: {  	s3 =	sld [smem:$0x3FAB]  }
0x31: {  	[smem:$0x3FB4] =	sst s10  }
0x32: {  	s10 =	sld [smem:$0x3FB2];
	_ =	sdelay $0x3  }
0x33: {  	p0 =	seq.s32 s10, $0x1;
	s10 =	sld [smem:$0x3FB4];
	_ =	sdelay $0x3  }
0x34: {  	[smem:$0x3FB4] =	sst s10  }
0x35: {  	s10 =	sld [smem:$0x3FB3];
	_ =	sdelay $0x3  }
0x36: {  	p1 =	seq.s32 s10, $0x1;
	s10 =	sld [smem:$0x3FB4];
	_ =	sdelay $0x3  }
0x37: {  	[smem:$0x3FB4] =	sst s10  }
0x38: {  	s10 =	sld [smem:$0x3FB5]  }
0x39: {  	_ = 	snop;
	(pc) =	sbr.ind lr, $3  }
0x3a: {  	_ = 	snop  }
0x3b: {  	_ = 	snop  }
0x3c: {  	p2 =	seq.s32 s10, $0x1;
	s10 =	sld [smem:$0x3FB4]  }
0x3d: {  	_ =	shalt  }
0x3e: {  	_ =	shalt  }
0x3f: {  	_ =	shalt  }
0x40: {  	_ =	shalt  }
0x41: {  	_ =	shalt  }
0x42: {  	_ =	shalt  }
0x43: {  	_ =	shalt  }
0x44: {  	_ =	shalt  }
0x45: {  	_ =	shalt  }
0x46: {  	_ =	shalt  }
0x47: {  	_ =	shalt  }
0x48: {  	_ =	shalt  }
0x49: {  	_ =	shalt  }
0x4a: {  	_ =	shalt  }
0x4b: {  	_ =	shalt  }
0x4c: {  	_ =	shalt  }
0x4d: {  	_ =	shalt  }
0x4e: {  	_ =	shalt  }
0x4f: {  	_ =	shalt  }
0x50: {  	_ =	shalt  }
0x51: {  	_ =	shalt  }
0x52: {  	_ =	shalt  }
0x53: {  	_ =	shalt  }
0x54: {  	_ =	shalt  }
0x55: {  	_ =	shalt  }
0x56: {  	_ =	shalt  }
0x57: {  	_ =	shalt  }
0x58: {  	_ =	shalt  }
0x59: {  	_ =	shalt  }
0x5a: {  	_ =	shalt  }
0x5b: {  	_ =	shalt  }
0x5c: {  	_ =	shalt  }
0x5d: {  	_ =	shalt  }
0x5e: {  	_ =	shalt  }
0x5f: {  	_ =	shalt  }
0x60: {  	_ =	shalt  }
0x61: {  	_ =	shalt  }
0x62: {  	_ =	shalt  }
0x63: {  	_ =	shalt  }
0x64: {  	_ =	shalt  }
0x65: {  	_ =	shalt  }
0x66: {  	_ =	shalt  }
0x67: {  	_ =	shalt  }
0x68: {  	_ =	shalt  }
0x69: {  	_ =	shalt  }
0x6a: {  	_ =	shalt  }
0x6b: {  	_ =	shalt  }
0x6c: {  	_ =	shalt  }
0x6d: {  	_ =	shalt  }
0x6e: {  	_ =	shalt  }
0x6f: {  	_ =	shalt  }
0x70: {  	_ =	shalt  }
0x71: {  	_ =	shalt  }
0x72: {  	_ =	shalt  }
0x73: {  	_ =	shalt  }
0x74: {  	_ =	shalt  }
0x75: {  	_ =	shalt  }
0x76: {  	_ =	shalt  }
0x77: {  	_ =	shalt  }
0x78: {  	_ =	shalt  }
0x79: {  	_ =	shalt  }
0x7a: {  	_ =	shalt  }
0x7b: {  	_ =	shalt  }
0x7c: {  	_ =	shalt  }
0x7d: {  	_ =	shalt  }
0x7e: {  	_ =	shalt  }
0x7f: {  	_ =	shalt  }
0x80: {  	_ =	shalt  }
0x81: {  	_ =	shalt  }
0x82: {  	_ =	shalt  }
0x83: {  	_ =	shalt  }
0x84: {  	_ =	shalt  }
0x85: {  	_ =	shalt  }
0x86: {  	_ =	shalt  }
0x87: {  	_ =	shalt  }
.Lfunc_end0:
.L_simem_size_0:
called_computation_lowered:
.L_overlay_start_0:
0x88: {  	s2 =	sld [smem:$0x3FD9]  }
0x89: {  	s3 =	sld [smem:$0x3FFE];
	_ =	sdelay $0x1  }
0x8a: {  	s1 =	srdreg.scid  }
0x8b: {  	s0 =	sand.u32 $0x1, s1  }
0x8c: {  	s16 =	sshll.u32 s0, $0xA;
	s2 =	sadd.s32 s3, s2  }
0x8d: {  	s2 =	sadd.s32 s2, s16  }
0x8e: {  	[smem:$0x3FC0] =	sst s2  }
0x8f: {  	_ = 	snop  }
0x90: {  	(tm) =	ssettm $0x1  }
0x91: {  	s17 =	sld [smem:$0x3FFB];
	_ =	sdelay $0x3  }
0x92: {  	_ =	strace s17  }
0x93: {  	s2 =	sld [smem:$0x3FFC];
	_ =	sdelay $0x3  }
0x94: {  	_ =	strace s2  }
0x95: {  	s2 =	sld [smem:$0x3FFD];
	_ =	sdelay $0x3  }
0x96: {  	_ =	strace s2  }
0x97: {  	_ =	strace $0x8FFFFFFF  }
0x98: {  	s18 =	sld [smem:$0x3FDB];
	_ =	sdelay $0x1  }
0x99: {  	s19 =	simm.s32 $_scs_section_size  }
0x9a: {  	s4 =	simm.s32 $_size__tile_overlayer_lowered;
	s5 =	simm.s32 $_tile_overlayer_lowered  }
0x9b: {  	s22 =	simm.s32 $0x1BFF;
	s21 =	sshll.u32 s5, $0x1;
	s2 =	sadd.s32 s19, s18  }
0x9c: {  	s6 =	simm.s32 $0x0;
	s20 =	sshll.u32 s4, $0x1;
	s4 =	sadd.s32 s21, s2  }
0x9d: {  	[timem:s6], [sflag:s22] =	dma.local [hbm:s4], s20  }
0x9e: {  	_ =	swait.ge [sflag:s22], s20  }
0x9f: {  	s3 =	ssub.s32 $0x0, s20;
	[sflag:s22] =	ssyncset.done $0x0  }
0xa0: {  	[sflag:s22] =	ssyncadd.s32 s3;
	_ =	sdelay $0x1  }
0xa1: {  	s23 =	simm.s32 $0x1B8B  }
0xa2: {  	_ =	swait.ge [sflag:s23], $0x1  }
0xa3: {  	[sflag:s23] =	ssyncset.done $0x0  }
0xa4: {  	s25 =	simm.s32 $0x1B8E;
	s24 =	sld [smem:$0x3FFE];
	[sflag:s23] =	ssyncadd.s32 $0xFFFFFFFF  }
0xa5: {  	s26 =	simm.s32 $execute0_lowered;
	[smem:$0x3FD2] =	sst s25  }
0xa6: {  	s4 =	sshll.u32 s26, $0x1;
	_ =	strace $0x80000046;
	[dreg:$0x1] =	wrdreg $0xFFFFFFFF  }
0xa7: {  	s28 =	simm.s32 $_size_execute0_lowered;
	s2 =	sadd.s32 s2, s4;
	[dreg:$0x0] =	wrdreg $0x0  }
0xa8: {  	s4 =	sshll.u32 s28, $0x1;
	[dreg:$0x2] =	wrdreg s2  }
0xa9: {  	[dreg:$0x3] =	wrdreg s4  }
0xaa: {  	[dreg:$0x4] =	wrdreg $0xC0  }
0xab: {  	_ =	task [dreg:s6], $0x5FFFF  }
0xac: {  	[dreg:$0x1] =	wrdreg $0xFFFFFFFF  }
0xad: {  	[dreg:$0x0] =	wrdreg $0x60  }
0xae: {  	[dreg:$0x2] =	wrdreg s24  }
0xaf: {  	[dreg:$0x3] =	wrdreg $0x9  }
0xb0: {  	_ =	task.clear_ibuf [dreg:s6], $0x4FFFF;
	_ =	strace $0x90000046  }
0xb1: {  	s29 =	simm.s32 $0x9;
	_ =	strace $0x80000048  }
0xb2: {  	_ =	swait.ge [sflag:s29], $0x1  }
0xb3: {  	[sflag:s29] =	ssyncadd.s32 $0xFFFFFFFF  }
0xb4: {  	_ =	strace $0x90000048  }
0xb5: {  	_ =	sfence  }
0xb6: {  	s30 =	sld [smem:$0x0];
	_ =	sdelay $0x2  }
0xb7: {  	s31 =	sshll.u32 s1, $0xD;
	s1 =	sshrl.u32 s1, $0x2  }
0xb8: {  	s3 =	sand.u32 $0x4000, s31;
	s1 =	sadd.s32 s1, s30  }
0xb9: {  	s0 =	sor.u32 s3, s0;
	s1 =	sshll.u32 s1, $0x11  }
0xba: {  	s0 =	sor.u32 s1, s0  }
0xbb: {  	s0 =	sadd.s32 $0x8F2B, s0  }
0xbc: {  	[sflag:s0] =	ssyncadd.remote.s32 $0x1  }
0xbd: {  	_ =	sfence.sel $0xFFFF  }
0xbe: {  	[dreg:$0x0] =	wrdreg $0xFFFFFFFF;
	(pc) =	sbr.abs _section_cstart, $3  }
0xbf: {  	[dreg:$0x1] =	wrdreg $0xFFFFFFFF  }
0xc0: {  	_ =	task.clear_ibuf [dreg:s6], $0x2FFFF;
	_ =	strace $0x9FFFFFFF  }
0xc1: {  	(tm) =	ssettm $0x7FFFFFFF  }
tec
execute0_lowered:
.L_overlay_start_1:
0x0: {  	(tag) =	ssettag $0x1  }
0x1: {  	s1 =	srdreg.scid;
	s0 =	stileid.u32  }
0x2: {  	s4 =	rddreg [dreg:$0x0];
	s2 =	simm.s32 $0x0;
	s11 =	simm.s32 $0x80  }
0x3: {  	s12 =	simm.s32 $0x5000;
	s13 =	simm.s32 $0x1;
	s14 =	simm.s32 $0x2  }
0x4: {  	s15 =	simm.s32 $0x0;
	s5 =	sand.u32 $0x1, s1;
	s1 =	rddreg [dreg:$0x1]  }
0x5: {  	s3 =	sshll.u32 s0, $0x1;
	[smem:$0x7FF] =	sst s2;
	s8 =	smul.u32 $0xC8000, s0  }
0x6: {  	s10 =	sadd.s32 $0x3EE000, s4;
	s3 =	sor.u32 s5, s3;
	_ =	strace $0x80000047  }
0x7: {  	s9 =	ssub.s32 $0x2, s5;
	s5 =	smul.u32 $0x64000, s5;
	s6 =	sshll.u32 s3, $0x9  }
0x8: {  	s7 =	smul.u32 $0x64000, s3;
	s3 =	sadd.s32 $0xE000, s4;
	s29 =	sshrl.u32 s9, $0x1  }
0x9: {  	s6 =	sadd.s32 s6, s4;
	s9 =	ssub.s32 s9, s29;
	s8 =	sadd.s32 s5, s8  }
0xa: {  	s7 =	sshrl.u32 s7, $0x3;
	s4 =	sadd.s32 $0xA000, s6;
	s30 =	sadd.s32 $0x4000, s8  }
0xb: {  	s6 =	smax.u32 s9, $0x1;
	s8 =	sshrl.u32 s8, $0x3;
	s7 =	sadd.s32 s10, s7  }
0xc: {  	s9 =	simm.s32 $0x3;
	s31 =	sshrl.u32 s30, $0x3;
	s5 =	sadd.s32 $0xC000, s7  }
0xd: {  	s7 =	sadd.s32 s8, s10;
	s8 =	sadd.s32 s31, s10;
	s10 =	simm.s32 $0x1000  }
.LBB2_1:
0xe: {  	[tilespmem:s2], [sflag:$0x3] =	stream.linear.gather [hbm4b:s4+s2], $0xC80, $0x38;
	[tilespmem:$0x9000] =	vst v63  }
0xf: {  	_ =	swait.ge [sflag:s9], $0xC80  }
0x10: {  	[sflag:s9] =	ssyncset.done $0x0  }
0x11: {  	[sflag:s9] =	ssyncadd.s32 $0xFFFFF380  }
0x12: {  	[tilespmem:s10], [sflag:$0x1] =	stream.indirect.gather [hbm4b:s3+s11], $0x80, s2, s11, $0xb8;
	[tilespmem:$0x9000] =	vst v63  }
0x13: {  	_ = 	snop  }
0x14: {  	[tilespmem:s12], [sflag:$0x2] =	stream.indirect.gather [hbm4b:s3+s11], $0x80, s11, s11, $0xb8;
	[tilespmem:$0x9000] =	vst v63  }
0x15: {  	_ =	swait.ge [sflag:s13], $0x4000  }
0x16: {  	[sflag:s13] =	ssyncset.done $0x0  }
0x17: {  	s16 =	sadd.s32 $0x0, s7;
	[sflag:s13] =	ssyncadd.s32 $0xFFFFC000  }
0x18: {  	[hbm4b:s16+s2] =	stream.linear.scatter [tilespmem:s10], [sflag:$0x3], $0x4000, $0x38;
	[tilespmem:$0x9000] =	vst v63  }
0x19: {  	_ =	swait.ge [sflag:s9], $0x4000  }
0x1a: {  	[sflag:s9] =	ssyncset.done $0x0  }
0x1b: {  	s30 =	simm.s32 $0x100;
	[sflag:s9] =	ssyncadd.s32 $0xFFFFC000  }
0x1c: {  	[tilespmem:s10], [sflag:$0x1] =	stream.indirect.gather [hbm4b:s3+s11], $0x80, s30, s11, $0xb8;
	[tilespmem:$0x9000] =	vst v63  }
0x1d: {  	_ =	swait.ge [sflag:s14], $0x4000  }
0x1e: {  	[sflag:s14] =	ssyncset.done $0x0  }
0x1f: {  	s31 =	sadd.s32 $0x0, s8;
	[sflag:s14] =	ssyncadd.s32 $0xFFFFC000  }
0x20: {  	[hbm4b:s31+s2] =	stream.linear.scatter [tilespmem:s12], [sflag:$0x3], $0x4000, $0x38;
	[tilespmem:$0x9000] =	vst v63  }
0x21: {  	_ =	swait.ge [sflag:s9], $0x4000  }
0x22: {  	s17 =	simm.s32 $0x80;
	s16 =	simm.s32 $0x1000;
	[sflag:s9] =	ssyncset.done $0x0  }
.LBB2_2:
0x23: {  	p0 =	sne.s32 s16, $0xB000;
	[sflag:s9] =	ssyncadd.s32 $0xFFFFC000;
	s17 =	sadd.s32 $0x100, s17  }
0x24: {  	[tilespmem:s12], [sflag:$0x2] =	stream.indirect.gather [hbm4b:s3+s11], $0x80, s17, s11, $0xb8;
	[tilespmem:$0x9000] =	vst v63  }
0x25: {  	s18 =	smov.u32 s16;
	s16 =	sadd.s32 $0x1000, s16;
	_ =	swait.ge [sflag:s13], $0x4000  }
0x26: {  	[sflag:s13] =	ssyncset.done $0x0  }
0x27: {  	s19 =	sadd.s32 s18, s7;
	[sflag:s13] =	ssyncadd.s32 $0xFFFFC000  }
0x28: {  	[hbm4b:s19+s2] =	stream.linear.scatter [tilespmem:s10], [sflag:$0x3], $0x4000, $0x38;
	[tilespmem:$0x9000] =	vst v63  }
0x29: {  	_ =	swait.ge [sflag:s9], $0x4000  }
0x2a: {  	[sflag:s9] =	ssyncset.done $0x0  }
0x2b: {  	s19 =	sadd.s32 $0x80, s17;
	[sflag:s9] =	ssyncadd.s32 $0xFFFFC000  }
0x2c: {  	[tilespmem:s10], [sflag:$0x1] =	stream.indirect.gather [hbm4b:s3+s11], $0x80, s19, s11, $0xb8;
	[tilespmem:$0x9000] =	vst v63  }
0x2d: {  	_ =	swait.ge [sflag:s14], $0x4000  }
.Ltmp0:
0x2e: {  	[sflag:s14] =	ssyncset.done $0x0;
	(pc) =	sbr.rel @p0 .LBB2_2-.Ltmp0, $4  }
0x2f: {  	s18 =	sadd.s32 s18, s8;
	[sflag:s14] =	ssyncadd.s32 $0xFFFFC000  }
0x30: {  	[hbm4b:s18+s2] =	stream.linear.scatter [tilespmem:s12], [sflag:$0x3], $0x4000, $0x38;
	[tilespmem:$0x9000] =	vst v63  }
0x31: {  	_ =	swait.ge [sflag:s9], $0x4000  }
0x32: {  	[sflag:s9] =	ssyncset.done $0x0  }
0x33: {  	[sflag:s9] =	ssyncadd.s32 $0xFFFFC000  }
0x34: {  	s15 =	sadd.s32 $0x1, s15;
	_ =	swait.ge [sflag:s13], $0x4000  }
0x35: {  	p0 =	sne.s32 s15, s6;
	[sflag:s13] =	ssyncset.done $0x0  }
.Ltmp1:
0x36: {  	[sflag:s13] =	ssyncadd.s32 $0xFFFFC000;
	(pc) =	sbr.rel @p0 .LBB2_1-.Ltmp1, $4  }
0x37: {  	[hbm4b:s5+s2] =	stream.linear.scatter [tilespmem:s10], [sflag:$0x3], $0x4000, $0x38;
	[tilespmem:$0x9000] =	vst v63  }
0x38: {  	_ =	swait.ge [sflag:s9], $0x4000  }
0x39: {  	[sflag:s9] =	ssyncset.done $0x0  }
0x3a: {  	[sflag:s9] =	ssyncadd.s32 $0xFFFFC000  }
0x3b: {  	_ =	sfence.sel $0x180000  }
0x3c: {  	[bflag:$0x0] =	sbarrier.arrive $0xFFFF  }
0x3d: {  	p0 =	sne.s32 s0, $0x0;
	_ =	strace $0x90000047  }
0x3e: {  	s0 =	sadd.s32 @!p0 $0x100000, s1;
	[bflag:$0x2] =	sbarrier.arrive $0xFFFF  }
0x3f: {  	[sflag:s0] =	ssyncadd.tile.s32 @!p0 $0x1;
	_ =	shalt  }
.Lfunc_end2:
_tile_overlayer_lowered:
.L_overlay_start_2:
0x40: {  	(tag) =	ssettag $0x2  }
0x41: {  	s0 =	rddreg [dreg:$0x0];
	s2 =	stileid.u32  }
0x42: {  	s1 =	rddreg [dreg:$0x1];
	p0 =	sne.s32 s2, $0x0  }
0x43: {  	s3 =	rddreg [dreg:$0x2];
	[bflag:$0x3] =	sbarrier.arrive $0xFFFF;
	s2 =	simm.s32 @!p0 $0x1C03  }
0x44: {  	[timem:s3], [sflag:s2] =	dma.local @!p0 [hbm:s0], s1  }
0x45: {  	s0 =	simm.s32 @!p0 $0x3  }
0x46: {  	_ =	swait.ge @!p0 [sflag:s0], s1  }
0x47: {  	s1 =	ssub.s32 @!p0 $0x0, s1;
	[sflag:s0] =	ssyncset.done @!p0 $0x0  }
0x48: {  	[sflag:s0] =	ssyncadd.s32 @!p0 s1  }
0x49: {  	[bflag:$0x3] =	sbarrier.arrive $0xFFFF  }
0x4a: {  	_ =	shalt  }

</sc_bundles>
